<compile_context>
chip_gen: v7x
topology: tpu7x:2x2x1
jax: 0.10.2.dev20260603
libtpu: 0.0.44.dev20260713+nightly
codegen_flags: <defaults>
</compile_context>

<pallas_src>
import functools

import jax
import jax.numpy as jnp
from jax import lax
from jax.experimental import pallas as pl
from jax.experimental.pallas import tpu as pltpu
from jax.experimental.pallas import tpu_sc as plsc

VOCAB = 1000
VPAD = 1024
NTOK = 1024 * 50



def _lse_body(table_ref, out_ref):
    x = table_ref[...]
    m = jnp.max(x, axis=1, keepdims=True)
    s = jnp.sum(jnp.exp(x - m), axis=1, keepdims=True)
    out_ref[...] = m + jnp.log(s)


def _lse_tc(table):
    v = table.shape[0]
    return pl.pallas_call(
        _lse_body,
        out_shape=jax.ShapeDtypeStruct((v, 1), jnp.float32),
    )(table)



_NC, _NS, _LANES = 2, 16, 16
_NW = _NC * _NS
_BPW = NTOK // _NW
_NBUF = 4
_CHUNK = 16
_NCHUNK = _BPW // _CHUNK


def _sc_gather_build():
    mesh = plsc.VectorSubcoreMesh(core_axis_name="c", subcore_axis_name="s")

    @functools.partial(
        pl.kernel,
        mesh=mesh,
        compiler_params=pltpu.CompilerParams(
            needs_layout_passes=False, use_tc_tiling_on_sc=True
        ),
        out_type=(
            jax.ShapeDtypeStruct((NTOK, VPAD), jnp.float32),
            jax.ShapeDtypeStruct((_NW, _LANES), jnp.float32),
        ),
        scratch_types=[
            pltpu.VMEM((_BPW,), jnp.int32),
            pltpu.VMEM((_BPW,), jnp.int32),
            pltpu.VMEM((_CHUNK, VPAD), jnp.float32),
            pltpu.VMEM((_CHUNK, VPAD), jnp.float32),
            pltpu.VMEM((_CHUNK, VPAD), jnp.float32),
            pltpu.VMEM((_CHUNK, VPAD), jnp.float32),
            pltpu.VMEM((VOCAB,), jnp.float32),
            pltpu.VMEM((_LANES,), jnp.float32),
            pltpu.SemaphoreType.DMA,
            pltpu.SemaphoreType.DMA,
            pltpu.SemaphoreType.DMA,
            pltpu.SemaphoreType.DMA,
            pltpu.SemaphoreType.DMA,
            pltpu.SemaphoreType.DMA,
            pltpu.SemaphoreType.DMA,
            pltpu.SemaphoreType.DMA,
        ],
    )
    def k(idx_hbm, tgt_hbm, lse_hbm, tpad_hbm, out_hbm, part_hbm,
          idx_v, tgt_v, rows0, rows1, rows2, rows3,
          lse_v, acc_v,
          gsem0, gsem1, gsem2, gsem3, wsem0, wsem1, wsem2, wsem3):
        rows = (rows0, rows1, rows2, rows3)
        gsems = (gsem0, gsem1, gsem2, gsem3)
        wsems = (wsem0, wsem1, wsem2, wsem3)
        sid = lax.axis_index("s")
        wid = sid * _NC + lax.axis_index("c")
        base = wid * _BPW
        pltpu.sync_copy(idx_hbm.at[pl.ds(base, _BPW)], idx_v)
        pltpu.sync_copy(tgt_hbm.at[pl.ds(base, _BPW)], tgt_v)
        pltpu.sync_copy(lse_hbm, lse_v)
        acc_v[...] = jnp.zeros((_LANES,), jnp.float32)
        lane = lax.iota(jnp.int32, _LANES)

        def start_gather(g, p):
            pltpu.make_async_copy(
                tpad_hbm.at[idx_v.at[pl.ds(g * _CHUNK, _CHUNK)]],
                rows[p], gsems[p],
            ).start()

        def wait_gather(p):
            pltpu.make_async_copy(
                tpad_hbm.at[idx_v.at[pl.ds(0, _CHUNK)]], rows[p], gsems[p]
            ).wait()

        def start_write(g, p):
            pltpu.make_async_copy(
                rows[p], out_hbm.at[pl.ds(base + g * _CHUNK, _CHUNK)], wsems[p]
            ).start()

        def wait_write(p):
            pltpu.make_async_copy(
                rows[p], out_hbm.at[pl.ds(base, _CHUNK)], wsems[p]
            ).wait()

        def loss_step(g, p):
            sl = pl.ds(g * _CHUNK, _CHUNK)
            c = tgt_v[sl]
            val = plsc.load_gather(rows[p], [lane, c])
            lse_g = plsc.load_gather(lse_v, [idx_v[sl]])
            acc_v[...] = acc_v[...] + (lse_g - val)

        start_gather(0, 0)
        start_gather(1, 1)
        start_gather(2, 2)
        wait_gather(0)
        loss_step(0, 0)
        start_write(0, 0)
        start_gather(3, 3)
        wait_gather(1)
        loss_step(1, 1)
        start_write(1, 1)

        def body(i, carry):
            for q in range(_NBUF):
                g = _NBUF * i + 2 + q
                pw = q
                pg = (2 + q) % _NBUF
                wait_write(pw)
                start_gather(g + 2, pw)
                wait_gather(pg)
                loss_step(g, pg)
                start_write(g, pg)
            return carry

        lax.fori_loop(0, (_NCHUNK - 4) // _NBUF, body, 0)

        wait_gather(2)
        loss_step(_NCHUNK - 2, 2)
        start_write(_NCHUNK - 2, 2)
        wait_gather(3)
        loss_step(_NCHUNK - 1, 3)
        start_write(_NCHUNK - 1, 3)

        for p in range(_NBUF):
            wait_write(p)
        pltpu.sync_copy(acc_v, part_hbm.at[wid])

    return k


_sc_gather = _sc_gather_build()



def _loss_body(part_ref, out_ref):
    out_ref[...] = jnp.sum(part_ref[...], keepdims=True).reshape(1, 1) * (
        1.0 / NTOK
    )


def _loss_tc(partials):
    return pl.pallas_call(
        _loss_body,
        out_shape=jax.ShapeDtypeStruct((1, 1), jnp.float32),
    )(partials)



def kernel(idx, targets, table):
    idx_f = idx.reshape(-1).astype(jnp.int32)
    tgt_f = targets.reshape(-1).astype(jnp.int32)
    lse = _lse_tc(table).reshape(VOCAB)
    tpad = jnp.pad(table, ((0, 0), (0, VPAD - VOCAB)))
    out_pad, partials = _sc_gather(idx_f, tgt_f, lse, tpad)
    loss = _loss_tc(partials)[0, 0]
    return (out_pad[:, :VOCAB], loss)

# --- scband reference (transcript-rebuilt; emitter-appended) ---
"""Pipeline reference for scband-bigram-language-model-77429670412355 (READ-ONLY COPY).

The authoritative reference and input builder live on the scoring server;
editing this copy changes nothing except your own understanding.
"""

import jax, jax.numpy as jnp
import numpy as np

VOCAB = 1000
B, L = 1024, 50

def setup_inputs(seed: int = 0) -> dict:
    key = jax.random.key(seed)
    k1, k2, k3 = jax.random.split(key, 3)
    idx = jax.random.randint(k1, (B, L), 0, VOCAB, dtype=jnp.int64) if jax.config.jax_enable_x64 else jax.random.randint(k1, (B, L), 0, VOCAB, dtype=jnp.int32)
    targets = jax.random.randint(k2, (B, L), 0, VOCAB, dtype=jnp.int32)
    table = jax.random.normal(k3, (VOCAB, VOCAB), dtype=jnp.float32)
    return {"idx": idx, "targets": targets, "table": table}

def reference(idx, targets, table):
    # logits = token_embedding_table(idx) -> [B, L, V]
    logits = jnp.take(table, idx, axis=0)
    # view(-1, embedding_dim)
    logits2d = logits.reshape(-1, table.shape[1])
    t = targets.reshape(-1)
    # F.cross_entropy: mean of -log_softmax(logits)[target]
    logp = jax.nn.log_softmax(logits2d, axis=-1)
    nll = -jnp.take_along_axis(logp, t[:, None], axis=1)[:, 0]
    loss = jnp.mean(nll)
    return (logits2d, loss)

if __name__ == "__main__":
    import jax
    _d = setup_inputs()
    print(jax.jit(kernel)(*tuple(_d.values())))

</pallas_src>

<mosaic_0001>
#map = affine_map<(d0, d1) -> (0)>
#map1 = affine_map<(d0, d1) -> (0, 0)>
module attributes {stable_mosaic.version = 14 : i64} {
  func.func @k(%arg0: i32, %arg1: i32, %arg2: memref<51200xi32, #tpu.memory_space<hbm>>, %arg3: memref<51200xi32, #tpu.memory_space<hbm>>, %arg4: memref<1000xf32, #tpu.memory_space<hbm>>, %arg5: memref<1000x1024xf32, #tpu.memory_space<hbm>>, %arg6: memref<51200x1024xf32, #tpu.memory_space<hbm>>, %arg7: memref<32x16xf32, #tpu.memory_space<hbm>>, %arg8: memref<1600xi32, #tpu.memory_space<vmem>>, %arg9: memref<1600xi32, #tpu.memory_space<vmem>>, %arg10: memref<16x1024xf32, #tpu.memory_space<vmem>>, %arg11: memref<16x1024xf32, #tpu.memory_space<vmem>>, %arg12: memref<16x1024xf32, #tpu.memory_space<vmem>>, %arg13: memref<16x1024xf32, #tpu.memory_space<vmem>>, %arg14: memref<1000xf32, #tpu.memory_space<vmem>>, %arg15: memref<16xf32, #tpu.memory_space<vmem>>, %arg16: memref<!tpu.dma_semaphore, #tpu.memory_space<semaphore_mem>>, %arg17: memref<!tpu.dma_semaphore, #tpu.memory_space<semaphore_mem>>, %arg18: memref<!tpu.dma_semaphore, #tpu.memory_space<semaphore_mem>>, %arg19: memref<!tpu.dma_semaphore, #tpu.memory_space<semaphore_mem>>, %arg20: memref<!tpu.dma_semaphore, #tpu.memory_space<semaphore_mem>>, %arg21: memref<!tpu.dma_semaphore, #tpu.memory_space<semaphore_mem>>, %arg22: memref<!tpu.dma_semaphore, #tpu.memory_space<semaphore_mem>>, %arg23: memref<!tpu.dma_semaphore, #tpu.memory_space<semaphore_mem>>) attributes {dimension_semantics = [#tpu.dimension_semantics<core_parallel>, #tpu.dimension_semantics<subcore_parallel>], iteration_bounds = array<i64: 2, 16>, scalar_prefetch = 0 : i64, scratch_operands = 16 : i64, tpu.core_type = #tpu.core_type<sc_vector_subcore>, window_params = [{transform_indices = #map}, {transform_indices = #map}, {transform_indices = #map}, {transform_indices = #map1}, {transform_indices = #map1}, {transform_indices = #map1}]} {
    %mul3A = arith.constant 2 : i32
    %mul3A_0 = arith.muli %arg1, %mul3A : i32
    %add3A = arith.addi %mul3A_0, %arg0 : i32
    %mul3A_1 = arith.constant 1600 : i32
    %mul3A_2 = arith.muli %add3A, %mul3A_1 : i32
    "tpu.region"() ({
      %run_scoped3A = tpu.sem_alloc : memref<!tpu.dma_semaphore, #tpu.memory_space<semaphore_mem>>
      %dma_start3A_133 = tpu.memref_slice %arg2[%mul3A_2] : memref<51200xi32, #tpu.memory_space<hbm>> -> memref<1600xi32, #tpu.memory_space<hbm>>
      %dma_start3A_134 = tpu.memref_slice %arg2[%mul3A_2] : memref<51200xi32, #tpu.memory_space<hbm>> -> memref<1600xi32, #tpu.memory_space<hbm>>
      tpu.enqueue_dma source(%dma_start3A_134 : memref<1600xi32, #tpu.memory_space<hbm>>) target(%arg8 : memref<1600xi32, #tpu.memory_space<vmem>>) target_semaphore(%run_scoped3A : memref<!tpu.dma_semaphore, #tpu.memory_space<semaphore_mem>>)
      %dma_wait3A_135 = tpu.memref_slice %arg2[%mul3A_2] : memref<51200xi32, #tpu.memory_space<hbm>> -> memref<1600xi32, #tpu.memory_space<hbm>>
      %dma_wait3A_136 = tpu.memref_slice %arg2[%mul3A_2] : memref<51200xi32, #tpu.memory_space<hbm>> -> memref<1600xi32, #tpu.memory_space<hbm>>
      tpu.wait_dma2 semaphore(%run_scoped3A : memref<!tpu.dma_semaphore, #tpu.memory_space<semaphore_mem>>) src(%dma_wait3A_136 : memref<1600xi32, #tpu.memory_space<hbm>>) dst(%arg8 : memref<1600xi32, #tpu.memory_space<vmem>>)
      tpu.yield
    }) : () -> ()
    "tpu.region"() ({
      %run_scoped3A = tpu.sem_alloc : memref<!tpu.dma_semaphore, #tpu.memory_space<semaphore_mem>>
      %dma_start3A_133 = tpu.memref_slice %arg3[%mul3A_2] : memref<51200xi32, #tpu.memory_space<hbm>> -> memref<1600xi32, #tpu.memory_space<hbm>>
      %dma_start3A_134 = tpu.memref_slice %arg3[%mul3A_2] : memref<51200xi32, #tpu.memory_space<hbm>> -> memref<1600xi32, #tpu.memory_space<hbm>>
      tpu.enqueue_dma source(%dma_start3A_134 : memref<1600xi32, #tpu.memory_space<hbm>>) target(%arg9 : memref<1600xi32, #tpu.memory_space<vmem>>) target_semaphore(%run_scoped3A : memref<!tpu.dma_semaphore, #tpu.memory_space<semaphore_mem>>)
      %dma_wait3A_135 = tpu.memref_slice %arg3[%mul3A_2] : memref<51200xi32, #tpu.memory_space<hbm>> -> memref<1600xi32, #tpu.memory_space<hbm>>
      %dma_wait3A_136 = tpu.memref_slice %arg3[%mul3A_2] : memref<51200xi32, #tpu.memory_space<hbm>> -> memref<1600xi32, #tpu.memory_space<hbm>>
      tpu.wait_dma2 semaphore(%run_scoped3A : memref<!tpu.dma_semaphore, #tpu.memory_space<semaphore_mem>>) src(%dma_wait3A_136 : memref<1600xi32, #tpu.memory_space<hbm>>) dst(%arg9 : memref<1600xi32, #tpu.memory_space<vmem>>)
      tpu.yield
    }) : () -> ()
    "tpu.region"() ({
      %run_scoped3A = tpu.sem_alloc : memref<!tpu.dma_semaphore, #tpu.memory_space<semaphore_mem>>
      tpu.enqueue_dma source(%arg4 : memref<1000xf32, #tpu.memory_space<hbm>>) target(%arg14 : memref<1000xf32, #tpu.memory_space<vmem>>) target_semaphore(%run_scoped3A : memref<!tpu.dma_semaphore, #tpu.memory_space<semaphore_mem>>)
      tpu.wait_dma2 semaphore(%run_scoped3A : memref<!tpu.dma_semaphore, #tpu.memory_space<semaphore_mem>>) src(%arg4 : memref<1000xf32, #tpu.memory_space<hbm>>) dst(%arg14 : memref<1000xf32, #tpu.memory_space<vmem>>)
      tpu.yield
    }) : () -> ()
    %broadcast_in_dim3A = arith.constant 0.000000e+00 : f32
    %broadcast_in_dim3A_3 = vector.broadcast %broadcast_in_dim3A : f32 to vector<16xf32>
    %swap3A = arith.constant 0 : index
    %swap3A_4 = tpu.vector_load %arg15[%swap3A] {strides = array<i32>} : memref<16xf32, #tpu.memory_space<vmem>>, vector<16xf32>,
    tpu.vector_store %arg15[%swap3A], %broadcast_in_dim3A_3 {strides = array<i32>} : memref<16xf32, #tpu.memory_space<vmem>>, vector<16xf32>,
    %iota3A = tpu.iota {dimensions = array<i32: 0>} : vector<16xi32>
    %dma_start3A = arith.constant 0 : i32
    %dma_start3A_5 = tpu.memref_slice %arg8[%dma_start3A] : memref<1600xi32, #tpu.memory_space<vmem>> -> memref<16xi32, #tpu.memory_space<vmem>>
    %dma_start3A_6 = arith.constant 0 : i32
    %dma_start3A_7 = arith.constant 0 : i32
    %dma_start3A_8 = tpu.memref_slice %arg5[%dma_start3A_6, %dma_start3A_7] : memref<1000x1024xf32, #tpu.memory_space<hbm>> -> memref<1000x1024xf32, #tpu.memory_space<hbm>>
    tpu.enqueue_indirect_dma source(%dma_start3A_8 : memref<1000x1024xf32, #tpu.memory_space<hbm>>) target(%arg10 : memref<16x1024xf32, #tpu.memory_space<vmem>>) offsets(%dma_start3A_5 : memref<16xi32, #tpu.memory_space<vmem>>) semaphore(%arg16 : memref<!tpu.dma_semaphore, #tpu.memory_space<semaphore_mem>>)
    %dma_start3A_9 = arith.constant 16 : i32
    %dma_start3A_10 = tpu.memref_slice %arg8[%dma_start3A_9] : memref<1600xi32, #tpu.memory_space<vmem>> -> memref<16xi32, #tpu.memory_space<vmem>>
    %dma_start3A_11 = arith.constant 0 : i32
    %dma_start3A_12 = arith.constant 0 : i32
    %dma_start3A_13 = tpu.memref_slice %arg5[%dma_start3A_11, %dma_start3A_12] : memref<1000x1024xf32, #tpu.memory_space<hbm>> -> memref<1000x1024xf32, #tpu.memory_space<hbm>>
    tpu.enqueue_indirect_dma source(%dma_start3A_13 : memref<1000x1024xf32, #tpu.memory_space<hbm>>) target(%arg11 : memref<16x1024xf32, #tpu.memory_space<vmem>>) offsets(%dma_start3A_10 : memref<16xi32, #tpu.memory_space<vmem>>) semaphore(%arg17 : memref<!tpu.dma_semaphore, #tpu.memory_space<semaphore_mem>>)
    %dma_start3A_14 = arith.constant 32 : i32
    %dma_start3A_15 = tpu.memref_slice %arg8[%dma_start3A_14] : memref<1600xi32, #tpu.memory_space<vmem>> -> memref<16xi32, #tpu.memory_space<vmem>>
    %dma_start3A_16 = arith.constant 0 : i32
    %dma_start3A_17 = arith.constant 0 : i32
    %dma_start3A_18 = tpu.memref_slice %arg5[%dma_start3A_16, %dma_start3A_17] : memref<1000x1024xf32, #tpu.memory_space<hbm>> -> memref<1000x1024xf32, #tpu.memory_space<hbm>>
    tpu.enqueue_indirect_dma source(%dma_start3A_18 : memref<1000x1024xf32, #tpu.memory_space<hbm>>) target(%arg12 : memref<16x1024xf32, #tpu.memory_space<vmem>>) offsets(%dma_start3A_15 : memref<16xi32, #tpu.memory_space<vmem>>) semaphore(%arg18 : memref<!tpu.dma_semaphore, #tpu.memory_space<semaphore_mem>>)
    %dma_wait3A = arith.constant 0 : i32
    %dma_wait3A_19 = tpu.memref_slice %arg8[%dma_wait3A] : memref<1600xi32, #tpu.memory_space<vmem>> -> memref<16xi32, #tpu.memory_space<vmem>>
    %dma_wait3A_20 = arith.constant 0 : i32
    %dma_wait3A_21 = arith.constant 0 : i32
    %dma_wait3A_22 = tpu.memref_slice %arg5[%dma_wait3A_20, %dma_wait3A_21] : memref<1000x1024xf32, #tpu.memory_space<hbm>> -> memref<1000x1024xf32, #tpu.memory_space<hbm>>
    tpu.wait_indirect_dma semaphore(%arg16 : memref<!tpu.dma_semaphore, #tpu.memory_space<semaphore_mem>>) src(%dma_wait3A_22 : memref<1000x1024xf32, #tpu.memory_space<hbm>>) dst(%arg10 : memref<16x1024xf32, #tpu.memory_space<vmem>>)
    %get3A = arith.constant 0 : index
    %get3A_23 = tpu.vector_load %arg9[%get3A] {strides = array<i32>} : memref<1600xi32, #tpu.memory_space<vmem>>, vector<16xi32>,
    %gather3A = tpu.vector_load_idx %arg10[%iota3A, %get3A_23] : memref<16x1024xf32, #tpu.memory_space<vmem>>[vector<16xi32>, vector<16xi32>], vector<16xf32>,
    %get3A_24 = arith.constant 0 : index
    %get3A_25 = tpu.vector_load %arg8[%get3A_24] {strides = array<i32>} : memref<1600xi32, #tpu.memory_space<vmem>>, vector<16xi32>,
    %gather3A_26 = tpu.vector_load_idx %arg14[%get3A_25] : memref<1000xf32, #tpu.memory_space<vmem>>[vector<16xi32>], vector<16xf32>,
    %get3A_27 = arith.constant 0 : index
    %get3A_28 = tpu.vector_load %arg15[%get3A_27] {strides = array<i32>} : memref<16xf32, #tpu.memory_space<vmem>>, vector<16xf32>,
    %sub3A = arith.subf %gather3A_26, %gather3A : vector<16xf32>
    %add3A_29 = arith.addf %get3A_28, %sub3A : vector<16xf32>
    %swap3A_30 = arith.constant 0 : index
    %swap3A_31 = tpu.vector_load %arg15[%swap3A_30] {strides = array<i32>} : memref<16xf32, #tpu.memory_space<vmem>>, vector<16xf32>,
    tpu.vector_store %arg15[%swap3A_30], %add3A_29 {strides = array<i32>} : memref<16xf32, #tpu.memory_space<vmem>>, vector<16xf32>,
    %add3A_32 = arith.constant 0 : i32
    %add3A_33 = arith.addi %mul3A_2, %add3A_32 : i32
    %dma_start3A_34 = arith.constant 0 : i32
    %dma_start3A_35 = tpu.memref_slice %arg6[%add3A_33, %dma_start3A_34] : memref<51200x1024xf32, #tpu.memory_space<hbm>> -> memref<16x1024xf32, #tpu.memory_space<hbm>>
    %dma_start3A_36 = arith.constant 0 : i32
    %dma_start3A_37 = tpu.memref_slice %arg6[%add3A_33, %dma_start3A_36] : memref<51200x1024xf32, #tpu.memory_space<hbm>> -> memref<16x1024xf32, #tpu.memory_space<hbm>>
    tpu.enqueue_dma source(%arg10 : memref<16x1024xf32, #tpu.memory_space<vmem>>) target(%dma_start3A_37 : memref<16x1024xf32, #tpu.memory_space<hbm>>) target_semaphore(%arg20 : memref<!tpu.dma_semaphore, #tpu.memory_space<semaphore_mem>>)
    %dma_start3A_38 = arith.constant 48 : i32
    %dma_start3A_39 = tpu.memref_slice %arg8[%dma_start3A_38] : memref<1600xi32, #tpu.memory_space<vmem>> -> memref<16xi32, #tpu.memory_space<vmem>>
    %dma_start3A_40 = arith.constant 0 : i32
    %dma_start3A_41 = arith.constant 0 : i32
    %dma_start3A_42 = tpu.memref_slice %arg5[%dma_start3A_40, %dma_start3A_41] : memref<1000x1024xf32, #tpu.memory_space<hbm>> -> memref<1000x1024xf32, #tpu.memory_space<hbm>>
    tpu.enqueue_indirect_dma source(%dma_start3A_42 : memref<1000x1024xf32, #tpu.memory_space<hbm>>) target(%arg13 : memref<16x1024xf32, #tpu.memory_space<vmem>>) offsets(%dma_start3A_39 : memref<16xi32, #tpu.memory_space<vmem>>) semaphore(%arg19 : memref<!tpu.dma_semaphore, #tpu.memory_space<semaphore_mem>>)
    %dma_wait3A_43 = arith.constant 0 : i32
    %dma_wait3A_44 = tpu.memref_slice %arg8[%dma_wait3A_43] : memref<1600xi32, #tpu.memory_space<vmem>> -> memref<16xi32, #tpu.memory_space<vmem>>
    %dma_wait3A_45 = arith.constant 0 : i32
    %dma_wait3A_46 = arith.constant 0 : i32
    %dma_wait3A_47 = tpu.memref_slice %arg5[%dma_wait3A_45, %dma_wait3A_46] : memref<1000x1024xf32, #tpu.memory_space<hbm>> -> memref<1000x1024xf32, #tpu.memory_space<hbm>>
    tpu.wait_indirect_dma semaphore(%arg17 : memref<!tpu.dma_semaphore, #tpu.memory_space<semaphore_mem>>) src(%dma_wait3A_47 : memref<1000x1024xf32, #tpu.memory_space<hbm>>) dst(%arg11 : memref<16x1024xf32, #tpu.memory_space<vmem>>)
    %get3A_48 = arith.constant 16 : index
    %get3A_49 = tpu.vector_load %arg9[%get3A_48] {strides = array<i32>} : memref<1600xi32, #tpu.memory_space<vmem>>, vector<16xi32>,
    %gather3A_50 = tpu.vector_load_idx %arg11[%iota3A, %get3A_49] : memref<16x1024xf32, #tpu.memory_space<vmem>>[vector<16xi32>, vector<16xi32>], vector<16xf32>,
    %get3A_51 = arith.constant 16 : index
    %get3A_52 = tpu.vector_load %arg8[%get3A_51] {strides = array<i32>} : memref<1600xi32, #tpu.memory_space<vmem>>, vector<16xi32>,
    %gather3A_53 = tpu.vector_load_idx %arg14[%get3A_52] : memref<1000xf32, #tpu.memory_space<vmem>>[vector<16xi32>], vector<16xf32>,
    %get3A_54 = arith.constant 0 : index
    %get3A_55 = tpu.vector_load %arg15[%get3A_54] {strides = array<i32>} : memref<16xf32, #tpu.memory_space<vmem>>, vector<16xf32>,
    %sub3A_56 = arith.subf %gather3A_53, %gather3A_50 : vector<16xf32>
    %add3A_57 = arith.addf %get3A_55, %sub3A_56 : vector<16xf32>
    %swap3A_58 = arith.constant 0 : index
    %swap3A_59 = tpu.vector_load %arg15[%swap3A_58] {strides = array<i32>} : memref<16xf32, #tpu.memory_space<vmem>>, vector<16xf32>,
    tpu.vector_store %arg15[%swap3A_58], %add3A_57 {strides = array<i32>} : memref<16xf32, #tpu.memory_space<vmem>>, vector<16xf32>,
    %add3A_60 = arith.constant 16 : i32
    %add3A_61 = arith.addi %mul3A_2, %add3A_60 : i32
    %dma_start3A_62 = arith.constant 0 : i32
    %dma_start3A_63 = tpu.memref_slice %arg6[%add3A_61, %dma_start3A_62] : memref<51200x1024xf32, #tpu.memory_space<hbm>> -> memref<16x1024xf32, #tpu.memory_space<hbm>>
    %dma_start3A_64 = arith.constant 0 : i32
    %dma_start3A_65 = tpu.memref_slice %arg6[%add3A_61, %dma_start3A_64] : memref<51200x1024xf32, #tpu.memory_space<hbm>> -> memref<16x1024xf32, #tpu.memory_space<hbm>>
    tpu.enqueue_dma source(%arg11 : memref<16x1024xf32, #tpu.memory_space<vmem>>) target(%dma_start3A_65 : memref<16x1024xf32, #tpu.memory_space<hbm>>) target_semaphore(%arg21 : memref<!tpu.dma_semaphore, #tpu.memory_space<semaphore_mem>>)
    %scan3A = arith.constant 0 : i32
    %scan3A_66 = arith.constant 0 : i32
    %scan3A_67 = arith.constant 24 : i32
    %scan3A_68 = arith.addi %scan3A_66, %scan3A_67 : i32
    %scan3A_69 = arith.constant 1 : i32
    scf.for %scan3A_133 = %scan3A_66 to %scan3A_68 step %scan3A_69  : i32 {
      %mul3A_134 = arith.constant 4 : i32
      %mul3A_135 = arith.muli %mul3A_134, %scan3A_133 : i32
      %add3A_136 = arith.constant 2 : i32
      %add3A_137 = arith.addi %mul3A_135, %add3A_136 : i32
      %add3A_138 = arith.constant 0 : i32
      %add3A_139 = arith.addi %add3A_137, %add3A_138 : i32
      %dma_wait3A_140 = arith.constant 0 : i32
      %dma_wait3A_141 = tpu.memref_slice %arg6[%mul3A_2, %dma_wait3A_140] : memref<51200x1024xf32, #tpu.memory_space<hbm>> -> memref<16x1024xf32, #tpu.memory_space<hbm>>
      %dma_wait3A_142 = arith.constant 0 : i32
      %dma_wait3A_143 = tpu.memref_slice %arg6[%mul3A_2, %dma_wait3A_142] : memref<51200x1024xf32, #tpu.memory_space<hbm>> -> memref<16x1024xf32, #tpu.memory_space<hbm>>
      tpu.wait_dma2 semaphore(%arg20 : memref<!tpu.dma_semaphore, #tpu.memory_space<semaphore_mem>>) src(%arg10 : memref<16x1024xf32, #tpu.memory_space<vmem>>) dst(%dma_wait3A_143 : memref<16x1024xf32, #tpu.memory_space<hbm>>)
      %add3A_144 = arith.constant 2 : i32
      %add3A_145 = arith.addi %add3A_139, %add3A_144 : i32
      %mul3A_146 = arith.constant 16 : i32
      %mul3A_147 = arith.muli %add3A_145, %mul3A_146 : i32
      %dma_start3A_148 = tpu.memref_slice %arg8[%mul3A_147] : memref<1600xi32, #tpu.memory_space<vmem>> -> memref<16xi32, #tpu.memory_space<vmem>>
      %dma_start3A_149 = arith.constant 0 : i32
      %dma_start3A_150 = arith.constant 0 : i32
      %dma_start3A_151 = tpu.memref_slice %arg5[%dma_start3A_149, %dma_start3A_150] : memref<1000x1024xf32, #tpu.memory_space<hbm>> -> memref<1000x1024xf32, #tpu.memory_space<hbm>>
      tpu.enqueue_indirect_dma source(%dma_start3A_151 : memref<1000x1024xf32, #tpu.memory_space<hbm>>) target(%arg10 : memref<16x1024xf32, #tpu.memory_space<vmem>>) offsets(%dma_start3A_148 : memref<16xi32, #tpu.memory_space<vmem>>) semaphore(%arg16 : memref<!tpu.dma_semaphore, #tpu.memory_space<semaphore_mem>>)
      %dma_wait3A_152 = arith.constant 0 : i32
      %dma_wait3A_153 = tpu.memref_slice %arg8[%dma_wait3A_152] : memref<1600xi32, #tpu.memory_space<vmem>> -> memref<16xi32, #tpu.memory_space<vmem>>
      %dma_wait3A_154 = arith.constant 0 : i32
      %dma_wait3A_155 = arith.constant 0 : i32
      %dma_wait3A_156 = tpu.memref_slice %arg5[%dma_wait3A_154, %dma_wait3A_155] : memref<1000x1024xf32, #tpu.memory_space<hbm>> -> memref<1000x1024xf32, #tpu.memory_space<hbm>>
      tpu.wait_indirect_dma semaphore(%arg18 : memref<!tpu.dma_semaphore, #tpu.memory_space<semaphore_mem>>) src(%dma_wait3A_156 : memref<1000x1024xf32, #tpu.memory_space<hbm>>) dst(%arg12 : memref<16x1024xf32, #tpu.memory_space<vmem>>)
      %mul3A_157 = arith.constant 16 : i32
      %mul3A_158 = arith.muli %add3A_139, %mul3A_157 : i32
      %get3A_159 = arith.index_cast %mul3A_158 : i32 to index
      %get3A_160 = tpu.vector_load %arg9[%get3A_159] {strides = array<i32>} : memref<1600xi32, #tpu.memory_space<vmem>>, vector<16xi32>,
      %gather3A_161 = tpu.vector_load_idx %arg12[%iota3A, %get3A_160] : memref<16x1024xf32, #tpu.memory_space<vmem>>[vector<16xi32>, vector<16xi32>], vector<16xf32>,
      %get3A_162 = arith.index_cast %mul3A_158 : i32 to index
      %get3A_163 = tpu.vector_load %arg8[%get3A_162] {strides = array<i32>} : memref<1600xi32, #tpu.memory_space<vmem>>, vector<16xi32>,
      %gather3A_164 = tpu.vector_load_idx %arg14[%get3A_163] : memref<1000xf32, #tpu.memory_space<vmem>>[vector<16xi32>], vector<16xf32>,
      %get3A_165 = arith.constant 0 : index
      %get3A_166 = tpu.vector_load %arg15[%get3A_165] {strides = array<i32>} : memref<16xf32, #tpu.memory_space<vmem>>, vector<16xf32>,
      %sub3A_167 = arith.subf %gather3A_164, %gather3A_161 : vector<16xf32>
      %add3A_168 = arith.addf %get3A_166, %sub3A_167 : vector<16xf32>
      %swap3A_169 = arith.constant 0 : index
      %swap3A_170 = tpu.vector_load %arg15[%swap3A_169] {strides = array<i32>} : memref<16xf32, #tpu.memory_space<vmem>>, vector<16xf32>,
      tpu.vector_store %arg15[%swap3A_169], %add3A_168 {strides = array<i32>} : memref<16xf32, #tpu.memory_space<vmem>>, vector<16xf32>,
      %mul3A_171 = arith.constant 16 : i32
      %mul3A_172 = arith.muli %add3A_139, %mul3A_171 : i32
      %add3A_173 = arith.addi %mul3A_2, %mul3A_172 : i32
      %dma_start3A_174 = arith.constant 0 : i32
      %dma_start3A_175 = tpu.memref_slice %arg6[%add3A_173, %dma_start3A_174] : memref<51200x1024xf32, #tpu.memory_space<hbm>> -> memref<16x1024xf32, #tpu.memory_space<hbm>>
      %dma_start3A_176 = arith.constant 0 : i32
      %dma_start3A_177 = tpu.memref_slice %arg6[%add3A_173, %dma_start3A_176] : memref<51200x1024xf32, #tpu.memory_space<hbm>> -> memref<16x1024xf32, #tpu.memory_space<hbm>>
      tpu.enqueue_dma source(%arg12 : memref<16x1024xf32, #tpu.memory_space<vmem>>) target(%dma_start3A_177 : memref<16x1024xf32, #tpu.memory_space<hbm>>) target_semaphore(%arg22 : memref<!tpu.dma_semaphore, #tpu.memory_space<semaphore_mem>>)
      %mul3A_178 = arith.constant 4 : i32
      %mul3A_179 = arith.muli %mul3A_178, %scan3A_133 : i32
      %add3A_180 = arith.constant 2 : i32
      %add3A_181 = arith.addi %mul3A_179, %add3A_180 : i32
      %add3A_182 = arith.constant 1 : i32
      %add3A_183 = arith.addi %add3A_181, %add3A_182 : i32
      %dma_wait3A_184 = arith.constant 0 : i32
      %dma_wait3A_185 = tpu.memref_slice %arg6[%mul3A_2, %dma_wait3A_184] : memref<51200x1024xf32, #tpu.memory_space<hbm>> -> memref<16x1024xf32, #tpu.memory_space<hbm>>
      %dma_wait3A_186 = arith.constant 0 : i32
      %dma_wait3A_187 = tpu.memref_slice %arg6[%mul3A_2, %dma_wait3A_186] : memref<51200x1024xf32, #tpu.memory_space<hbm>> -> memref<16x1024xf32, #tpu.memory_space<hbm>>
      tpu.wait_dma2 semaphore(%arg21 : memref<!tpu.dma_semaphore, #tpu.memory_space<semaphore_mem>>) src(%arg11 : memref<16x1024xf32, #tpu.memory_space<vmem>>) dst(%dma_wait3A_187 : memref<16x1024xf32, #tpu.memory_space<hbm>>)
      %add3A_188 = arith.constant 2 : i32
      %add3A_189 = arith.addi %add3A_183, %add3A_188 : i32
      %mul3A_190 = arith.constant 16 : i32
      %mul3A_191 = arith.muli %add3A_189, %mul3A_190 : i32
      %dma_start3A_192 = tpu.memref_slice %arg8[%mul3A_191] : memref<1600xi32, #tpu.memory_space<vmem>> -> memref<16xi32, #tpu.memory_space<vmem>>
      %dma_start3A_193 = arith.constant 0 : i32
      %dma_start3A_194 = arith.constant 0 : i32
      %dma_start3A_195 = tpu.memref_slice %arg5[%dma_start3A_193, %dma_start3A_194] : memref<1000x1024xf32, #tpu.memory_space<hbm>> -> memref<1000x1024xf32, #tpu.memory_space<hbm>>
      tpu.enqueue_indirect_dma source(%dma_start3A_195 : memref<1000x1024xf32, #tpu.memory_space<hbm>>) target(%arg11 : memref<16x1024xf32, #tpu.memory_space<vmem>>) offsets(%dma_start3A_192 : memref<16xi32, #tpu.memory_space<vmem>>) semaphore(%arg17 : memref<!tpu.dma_semaphore, #tpu.memory_space<semaphore_mem>>)
      %dma_wait3A_196 = arith.constant 0 : i32
      %dma_wait3A_197 = tpu.memref_slice %arg8[%dma_wait3A_196] : memref<1600xi32, #tpu.memory_space<vmem>> -> memref<16xi32, #tpu.memory_space<vmem>>
      %dma_wait3A_198 = arith.constant 0 : i32
      %dma_wait3A_199 = arith.constant 0 : i32
      %dma_wait3A_200 = tpu.memref_slice %arg5[%dma_wait3A_198, %dma_wait3A_199] : memref<1000x1024xf32, #tpu.memory_space<hbm>> -> memref<1000x1024xf32, #tpu.memory_space<hbm>>
      tpu.wait_indirect_dma semaphore(%arg19 : memref<!tpu.dma_semaphore, #tpu.memory_space<semaphore_mem>>) src(%dma_wait3A_200 : memref<1000x1024xf32, #tpu.memory_space<hbm>>) dst(%arg13 : memref<16x1024xf32, #tpu.memory_space<vmem>>)
      %mul3A_201 = arith.constant 16 : i32
      %mul3A_202 = arith.muli %add3A_183, %mul3A_201 : i32
      %get3A_203 = arith.index_cast %mul3A_202 : i32 to index
      %get3A_204 = tpu.vector_load %arg9[%get3A_203] {strides = array<i32>} : memref<1600xi32, #tpu.memory_space<vmem>>, vector<16xi32>,
      %gather3A_205 = tpu.vector_load_idx %arg13[%iota3A, %get3A_204] : memref<16x1024xf32, #tpu.memory_space<vmem>>[vector<16xi32>, vector<16xi32>], vector<16xf32>,
      %get3A_206 = arith.index_cast %mul3A_202 : i32 to index
      %get3A_207 = tpu.vector_load %arg8[%get3A_206] {strides = array<i32>} : memref<1600xi32, #tpu.memory_space<vmem>>, vector<16xi32>,
      %gather3A_208 = tpu.vector_load_idx %arg14[%get3A_207] : memref<1000xf32, #tpu.memory_space<vmem>>[vector<16xi32>], vector<16xf32>,
      %get3A_209 = arith.constant 0 : index
      %get3A_210 = tpu.vector_load %arg15[%get3A_209] {strides = array<i32>} : memref<16xf32, #tpu.memory_space<vmem>>, vector<16xf32>,
      %sub3A_211 = arith.subf %gather3A_208, %gather3A_205 : vector<16xf32>
      %add3A_212 = arith.addf %get3A_210, %sub3A_211 : vector<16xf32>
      %swap3A_213 = arith.constant 0 : index
      %swap3A_214 = tpu.vector_load %arg15[%swap3A_213] {strides = array<i32>} : memref<16xf32, #tpu.memory_space<vmem>>, vector<16xf32>,
      tpu.vector_store %arg15[%swap3A_213], %add3A_212 {strides = array<i32>} : memref<16xf32, #tpu.memory_space<vmem>>, vector<16xf32>,
      %mul3A_215 = arith.constant 16 : i32
      %mul3A_216 = arith.muli %add3A_183, %mul3A_215 : i32
      %add3A_217 = arith.addi %mul3A_2, %mul3A_216 : i32
      %dma_start3A_218 = arith.constant 0 : i32
      %dma_start3A_219 = tpu.memref_slice %arg6[%add3A_217, %dma_start3A_218] : memref<51200x1024xf32, #tpu.memory_space<hbm>> -> memref<16x1024xf32, #tpu.memory_space<hbm>>
      %dma_start3A_220 = arith.constant 0 : i32
      %dma_start3A_221 = tpu.memref_slice %arg6[%add3A_217, %dma_start3A_220] : memref<51200x1024xf32, #tpu.memory_space<hbm>> -> memref<16x1024xf32, #tpu.memory_space<hbm>>
      tpu.enqueue_dma source(%arg13 : memref<16x1024xf32, #tpu.memory_space<vmem>>) target(%dma_start3A_221 : memref<16x1024xf32, #tpu.memory_space<hbm>>) target_semaphore(%arg23 : memref<!tpu.dma_semaphore, #tpu.memory_space<semaphore_mem>>)
      %mul3A_222 = arith.constant 4 : i32
      %mul3A_223 = arith.muli %mul3A_222, %scan3A_133 : i32
      %add3A_224 = arith.constant 2 : i32
      %add3A_225 = arith.addi %mul3A_223, %add3A_224 : i32
      %add3A_226 = arith.constant 2 : i32
      %add3A_227 = arith.addi %add3A_225, %add3A_226 : i32
      %dma_wait3A_228 = arith.constant 0 : i32
      %dma_wait3A_229 = tpu.memref_slice %arg6[%mul3A_2, %dma_wait3A_228] : memref<51200x1024xf32, #tpu.memory_space<hbm>> -> memref<16x1024xf32, #tpu.memory_space<hbm>>
      %dma_wait3A_230 = arith.constant 0 : i32
      %dma_wait3A_231 = tpu.memref_slice %arg6[%mul3A_2, %dma_wait3A_230] : memref<51200x1024xf32, #tpu.memory_space<hbm>> -> memref<16x1024xf32, #tpu.memory_space<hbm>>
      tpu.wait_dma2 semaphore(%arg22 : memref<!tpu.dma_semaphore, #tpu.memory_space<semaphore_mem>>) src(%arg12 : memref<16x1024xf32, #tpu.memory_space<vmem>>) dst(%dma_wait3A_231 : memref<16x1024xf32, #tpu.memory_space<hbm>>)
      %add3A_232 = arith.constant 2 : i32
      %add3A_233 = arith.addi %add3A_227, %add3A_232 : i32
      %mul3A_234 = arith.constant 16 : i32
      %mul3A_235 = arith.muli %add3A_233, %mul3A_234 : i32
      %dma_start3A_236 = tpu.memref_slice %arg8[%mul3A_235] : memref<1600xi32, #tpu.memory_space<vmem>> -> memref<16xi32, #tpu.memory_space<vmem>>
      %dma_start3A_237 = arith.constant 0 : i32
      %dma_start3A_238 = arith.constant 0 : i32
      %dma_start3A_239 = tpu.memref_slice %arg5[%dma_start3A_237, %dma_start3A_238] : memref<1000x1024xf32, #tpu.memory_space<hbm>> -> memref<1000x1024xf32, #tpu.memory_space<hbm>>
      tpu.enqueue_indirect_dma source(%dma_start3A_239 : memref<1000x1024xf32, #tpu.memory_space<hbm>>) target(%arg12 : memref<16x1024xf32, #tpu.memory_space<vmem>>) offsets(%dma_start3A_236 : memref<16xi32, #tpu.memory_space<vmem>>) semaphore(%arg18 : memref<!tpu.dma_semaphore, #tpu.memory_space<semaphore_mem>>)
      %dma_wait3A_240 = arith.constant 0 : i32
      %dma_wait3A_241 = tpu.memref_slice %arg8[%dma_wait3A_240] : memref<1600xi32, #tpu.memory_space<vmem>> -> memref<16xi32, #tpu.memory_space<vmem>>
      %dma_wait3A_242 = arith.constant 0 : i32
      %dma_wait3A_243 = arith.constant 0 : i32
      %dma_wait3A_244 = tpu.memref_slice %arg5[%dma_wait3A_242, %dma_wait3A_243] : memref<1000x1024xf32, #tpu.memory_space<hbm>> -> memref<1000x1024xf32, #tpu.memory_space<hbm>>
      tpu.wait_indirect_dma semaphore(%arg16 : memref<!tpu.dma_semaphore, #tpu.memory_space<semaphore_mem>>) src(%dma_wait3A_244 : memref<1000x1024xf32, #tpu.memory_space<hbm>>) dst(%arg10 : memref<16x1024xf32, #tpu.memory_space<vmem>>)
      %mul3A_245 = arith.constant 16 : i32
      %mul3A_246 = arith.muli %add3A_227, %mul3A_245 : i32
      %get3A_247 = arith.index_cast %mul3A_246 : i32 to index
      %get3A_248 = tpu.vector_load %arg9[%get3A_247] {strides = array<i32>} : memref<1600xi32, #tpu.memory_space<vmem>>, vector<16xi32>,
      %gather3A_249 = tpu.vector_load_idx %arg10[%iota3A, %get3A_248] : memref<16x1024xf32, #tpu.memory_space<vmem>>[vector<16xi32>, vector<16xi32>], vector<16xf32>,
      %get3A_250 = arith.index_cast %mul3A_246 : i32 to index
      %get3A_251 = tpu.vector_load %arg8[%get3A_250] {strides = array<i32>} : memref<1600xi32, #tpu.memory_space<vmem>>, vector<16xi32>,
      %gather3A_252 = tpu.vector_load_idx %arg14[%get3A_251] : memref<1000xf32, #tpu.memory_space<vmem>>[vector<16xi32>], vector<16xf32>,
      %get3A_253 = arith.constant 0 : index
      %get3A_254 = tpu.vector_load %arg15[%get3A_253] {strides = array<i32>} : memref<16xf32, #tpu.memory_space<vmem>>, vector<16xf32>,
      %sub3A_255 = arith.subf %gather3A_252, %gather3A_249 : vector<16xf32>
      %add3A_256 = arith.addf %get3A_254, %sub3A_255 : vector<16xf32>
      %swap3A_257 = arith.constant 0 : index
      %swap3A_258 = tpu.vector_load %arg15[%swap3A_257] {strides = array<i32>} : memref<16xf32, #tpu.memory_space<vmem>>, vector<16xf32>,
      tpu.vector_store %arg15[%swap3A_257], %add3A_256 {strides = array<i32>} : memref<16xf32, #tpu.memory_space<vmem>>, vector<16xf32>,
      %mul3A_259 = arith.constant 16 : i32
      %mul3A_260 = arith.muli %add3A_227, %mul3A_259 : i32
      %add3A_261 = arith.addi %mul3A_2, %mul3A_260 : i32
      %dma_start3A_262 = arith.constant 0 : i32
      %dma_start3A_263 = tpu.memref_slice %arg6[%add3A_261, %dma_start3A_262] : memref<51200x1024xf32, #tpu.memory_space<hbm>> -> memref<16x1024xf32, #tpu.memory_space<hbm>>
      %dma_start3A_264 = arith.constant 0 : i32
      %dma_start3A_265 = tpu.memref_slice %arg6[%add3A_261, %dma_start3A_264] : memref<51200x1024xf32, #tpu.memory_space<hbm>> -> memref<16x1024xf32, #tpu.memory_space<hbm>>
      tpu.enqueue_dma source(%arg10 : memref<16x1024xf32, #tpu.memory_space<vmem>>) target(%dma_start3A_265 : memref<16x1024xf32, #tpu.memory_space<hbm>>) target_semaphore(%arg20 : memref<!tpu.dma_semaphore, #tpu.memory_space<semaphore_mem>>)
      %mul3A_266 = arith.constant 4 : i32
      %mul3A_267 = arith.muli %mul3A_266, %scan3A_133 : i32
      %add3A_268 = arith.constant 2 : i32
      %add3A_269 = arith.addi %mul3A_267, %add3A_268 : i32
      %add3A_270 = arith.constant 3 : i32
      %add3A_271 = arith.addi %add3A_269, %add3A_270 : i32
      %dma_wait3A_272 = arith.constant 0 : i32
      %dma_wait3A_273 = tpu.memref_slice %arg6[%mul3A_2, %dma_wait3A_272] : memref<51200x1024xf32, #tpu.memory_space<hbm>> -> memref<16x1024xf32, #tpu.memory_space<hbm>>
      %dma_wait3A_274 = arith.constant 0 : i32
      %dma_wait3A_275 = tpu.memref_slice %arg6[%mul3A_2, %dma_wait3A_274] : memref<51200x1024xf32, #tpu.memory_space<hbm>> -> memref<16x1024xf32, #tpu.memory_space<hbm>>
      tpu.wait_dma2 semaphore(%arg23 : memref<!tpu.dma_semaphore, #tpu.memory_space<semaphore_mem>>) src(%arg13 : memref<16x1024xf32, #tpu.memory_space<vmem>>) dst(%dma_wait3A_275 : memref<16x1024xf32, #tpu.memory_space<hbm>>)
      %add3A_276 = arith.constant 2 : i32
      %add3A_277 = arith.addi %add3A_271, %add3A_276 : i32
      %mul3A_278 = arith.constant 16 : i32
      %mul3A_279 = arith.muli %add3A_277, %mul3A_278 : i32
      %dma_start3A_280 = tpu.memref_slice %arg8[%mul3A_279] : memref<1600xi32, #tpu.memory_space<vmem>> -> memref<16xi32, #tpu.memory_space<vmem>>
      %dma_start3A_281 = arith.constant 0 : i32
      %dma_start3A_282 = arith.constant 0 : i32
      %dma_start3A_283 = tpu.memref_slice %arg5[%dma_start3A_281, %dma_start3A_282] : memref<1000x1024xf32, #tpu.memory_space<hbm>> -> memref<1000x1024xf32, #tpu.memory_space<hbm>>
      tpu.enqueue_indirect_dma source(%dma_start3A_283 : memref<1000x1024xf32, #tpu.memory_space<hbm>>) target(%arg13 : memref<16x1024xf32, #tpu.memory_space<vmem>>) offsets(%dma_start3A_280 : memref<16xi32, #tpu.memory_space<vmem>>) semaphore(%arg19 : memref<!tpu.dma_semaphore, #tpu.memory_space<semaphore_mem>>)
      %dma_wait3A_284 = arith.constant 0 : i32
      %dma_wait3A_285 = tpu.memref_slice %arg8[%dma_wait3A_284] : memref<1600xi32, #tpu.memory_space<vmem>> -> memref<16xi32, #tpu.memory_space<vmem>>
      %dma_wait3A_286 = arith.constant 0 : i32
      %dma_wait3A_287 = arith.constant 0 : i32
      %dma_wait3A_288 = tpu.memref_slice %arg5[%dma_wait3A_286, %dma_wait3A_287] : memref<1000x1024xf32, #tpu.memory_space<hbm>> -> memref<1000x1024xf32, #tpu.memory_space<hbm>>
      tpu.wait_indirect_dma semaphore(%arg17 : memref<!tpu.dma_semaphore, #tpu.memory_space<semaphore_mem>>) src(%dma_wait3A_288 : memref<1000x1024xf32, #tpu.memory_space<hbm>>) dst(%arg11 : memref<16x1024xf32, #tpu.memory_space<vmem>>)
      %mul3A_289 = arith.constant 16 : i32
      %mul3A_290 = arith.muli %add3A_271, %mul3A_289 : i32
      %get3A_291 = arith.index_cast %mul3A_290 : i32 to index
      %get3A_292 = tpu.vector_load %arg9[%get3A_291] {strides = array<i32>} : memref<1600xi32, #tpu.memory_space<vmem>>, vector<16xi32>,
      %gather3A_293 = tpu.vector_load_idx %arg11[%iota3A, %get3A_292] : memref<16x1024xf32, #tpu.memory_space<vmem>>[vector<16xi32>, vector<16xi32>], vector<16xf32>,
      %get3A_294 = arith.index_cast %mul3A_290 : i32 to index
      %get3A_295 = tpu.vector_load %arg8[%get3A_294] {strides = array<i32>} : memref<1600xi32, #tpu.memory_space<vmem>>, vector<16xi32>,
      %gather3A_296 = tpu.vector_load_idx %arg14[%get3A_295] : memref<1000xf32, #tpu.memory_space<vmem>>[vector<16xi32>], vector<16xf32>,
      %get3A_297 = arith.constant 0 : index
      %get3A_298 = tpu.vector_load %arg15[%get3A_297] {strides = array<i32>} : memref<16xf32, #tpu.memory_space<vmem>>, vector<16xf32>,
      %sub3A_299 = arith.subf %gather3A_296, %gather3A_293 : vector<16xf32>
      %add3A_300 = arith.addf %get3A_298, %sub3A_299 : vector<16xf32>
      %swap3A_301 = arith.constant 0 : index
      %swap3A_302 = tpu.vector_load %arg15[%swap3A_301] {strides = array<i32>} : memref<16xf32, #tpu.memory_space<vmem>>, vector<16xf32>,
      tpu.vector_store %arg15[%swap3A_301], %add3A_300 {strides = array<i32>} : memref<16xf32, #tpu.memory_space<vmem>>, vector<16xf32>,
      %mul3A_303 = arith.constant 16 : i32
      %mul3A_304 = arith.muli %add3A_271, %mul3A_303 : i32
      %add3A_305 = arith.addi %mul3A_2, %mul3A_304 : i32
      %dma_start3A_306 = arith.constant 0 : i32
      %dma_start3A_307 = tpu.memref_slice %arg6[%add3A_305, %dma_start3A_306] : memref<51200x1024xf32, #tpu.memory_space<hbm>> -> memref<16x1024xf32, #tpu.memory_space<hbm>>
      %dma_start3A_308 = arith.constant 0 : i32
      %dma_start3A_309 = tpu.memref_slice %arg6[%add3A_305, %dma_start3A_308] : memref<51200x1024xf32, #tpu.memory_space<hbm>> -> memref<16x1024xf32, #tpu.memory_space<hbm>>
      tpu.enqueue_dma source(%arg11 : memref<16x1024xf32, #tpu.memory_space<vmem>>) target(%dma_start3A_309 : memref<16x1024xf32, #tpu.memory_space<hbm>>) target_semaphore(%arg21 : memref<!tpu.dma_semaphore, #tpu.memory_space<semaphore_mem>>)
    }
    %scan3A_70 = arith.constant 24 : i32
    %dma_wait3A_71 = arith.constant 0 : i32
    %dma_wait3A_72 = tpu.memref_slice %arg8[%dma_wait3A_71] : memref<1600xi32, #tpu.memory_space<vmem>> -> memref<16xi32, #tpu.memory_space<vmem>>
    %dma_wait3A_73 = arith.constant 0 : i32
    %dma_wait3A_74 = arith.constant 0 : i32
    %dma_wait3A_75 = tpu.memref_slice %arg5[%dma_wait3A_73, %dma_wait3A_74] : memref<1000x1024xf32, #tpu.memory_space<hbm>> -> memref<1000x1024xf32, #tpu.memory_space<hbm>>
    tpu.wait_indirect_dma semaphore(%arg18 : memref<!tpu.dma_semaphore, #tpu.memory_space<semaphore_mem>>) src(%dma_wait3A_75 : memref<1000x1024xf32, #tpu.memory_space<hbm>>) dst(%arg12 : memref<16x1024xf32, #tpu.memory_space<vmem>>)
    %get3A_76 = arith.constant 1568 : index
    %get3A_77 = tpu.vector_load %arg9[%get3A_76] {strides = array<i32>} : memref<1600xi32, #tpu.memory_space<vmem>>, vector<16xi32>,
    %gather3A_78 = tpu.vector_load_idx %arg12[%iota3A, %get3A_77] : memref<16x1024xf32, #tpu.memory_space<vmem>>[vector<16xi32>, vector<16xi32>], vector<16xf32>,
    %get3A_79 = arith.constant 1568 : index
    %get3A_80 = tpu.vector_load %arg8[%get3A_79] {strides = array<i32>} : memref<1600xi32, #tpu.memory_space<vmem>>, vector<16xi32>,
    %gather3A_81 = tpu.vector_load_idx %arg14[%get3A_80] : memref<1000xf32, #tpu.memory_space<vmem>>[vector<16xi32>], vector<16xf32>,
    %get3A_82 = arith.constant 0 : index
    %get3A_83 = tpu.vector_load %arg15[%get3A_82] {strides = array<i32>} : memref<16xf32, #tpu.memory_space<vmem>>, vector<16xf32>,
    %sub3A_84 = arith.subf %gather3A_81, %gather3A_78 : vector<16xf32>
    %add3A_85 = arith.addf %get3A_83, %sub3A_84 : vector<16xf32>
    %swap3A_86 = arith.constant 0 : index
    %swap3A_87 = tpu.vector_load %arg15[%swap3A_86] {strides = array<i32>} : memref<16xf32, #tpu.memory_space<vmem>>, vector<16xf32>,
    tpu.vector_store %arg15[%swap3A_86], %add3A_85 {strides = array<i32>} : memref<16xf32, #tpu.memory_space<vmem>>, vector<16xf32>,
    %add3A_88 = arith.constant 1568 : i32
    %add3A_89 = arith.addi %mul3A_2, %add3A_88 : i32
    %dma_start3A_90 = arith.constant 0 : i32
    %dma_start3A_91 = tpu.memref_slice %arg6[%add3A_89, %dma_start3A_90] : memref<51200x1024xf32, #tpu.memory_space<hbm>> -> memref<16x1024xf32, #tpu.memory_space<hbm>>
    %dma_start3A_92 = arith.constant 0 : i32
    %dma_start3A_93 = tpu.memref_slice %arg6[%add3A_89, %dma_start3A_92] : memref<51200x1024xf32, #tpu.memory_space<hbm>> -> memref<16x1024xf32, #tpu.memory_space<hbm>>
    tpu.enqueue_dma source(%arg12 : memref<16x1024xf32, #tpu.memory_space<vmem>>) target(%dma_start3A_93 : memref<16x1024xf32, #tpu.memory_space<hbm>>) target_semaphore(%arg22 : memref<!tpu.dma_semaphore, #tpu.memory_space<semaphore_mem>>)
    %dma_wait3A_94 = arith.constant 0 : i32
    %dma_wait3A_95 = tpu.memref_slice %arg8[%dma_wait3A_94] : memref<1600xi32, #tpu.memory_space<vmem>> -> memref<16xi32, #tpu.memory_space<vmem>>
    %dma_wait3A_96 = arith.constant 0 : i32
    %dma_wait3A_97 = arith.constant 0 : i32
    %dma_wait3A_98 = tpu.memref_slice %arg5[%dma_wait3A_96, %dma_wait3A_97] : memref<1000x1024xf32, #tpu.memory_space<hbm>> -> memref<1000x1024xf32, #tpu.memory_space<hbm>>
    tpu.wait_indirect_dma semaphore(%arg19 : memref<!tpu.dma_semaphore, #tpu.memory_space<semaphore_mem>>) src(%dma_wait3A_98 : memref<1000x1024xf32, #tpu.memory_space<hbm>>) dst(%arg13 : memref<16x1024xf32, #tpu.memory_space<vmem>>)
    %get3A_99 = arith.constant 1584 : index
    %get3A_100 = tpu.vector_load %arg9[%get3A_99] {strides = array<i32>} : memref<1600xi32, #tpu.memory_space<vmem>>, vector<16xi32>,
    %gather3A_101 = tpu.vector_load_idx %arg13[%iota3A, %get3A_100] : memref<16x1024xf32, #tpu.memory_space<vmem>>[vector<16xi32>, vector<16xi32>], vector<16xf32>,
    %get3A_102 = arith.constant 1584 : index
    %get3A_103 = tpu.vector_load %arg8[%get3A_102] {strides = array<i32>} : memref<1600xi32, #tpu.memory_space<vmem>>, vector<16xi32>,
    %gather3A_104 = tpu.vector_load_idx %arg14[%get3A_103] : memref<1000xf32, #tpu.memory_space<vmem>>[vector<16xi32>], vector<16xf32>,
    %get3A_105 = arith.constant 0 : index
    %get3A_106 = tpu.vector_load %arg15[%get3A_105] {strides = array<i32>} : memref<16xf32, #tpu.memory_space<vmem>>, vector<16xf32>,
    %sub3A_107 = arith.subf %gather3A_104, %gather3A_101 : vector<16xf32>
    %add3A_108 = arith.addf %get3A_106, %sub3A_107 : vector<16xf32>
    %swap3A_109 = arith.constant 0 : index
    %swap3A_110 = tpu.vector_load %arg15[%swap3A_109] {strides = array<i32>} : memref<16xf32, #tpu.memory_space<vmem>>, vector<16xf32>,
    tpu.vector_store %arg15[%swap3A_109], %add3A_108 {strides = array<i32>} : memref<16xf32, #tpu.memory_space<vmem>>, vector<16xf32>,
    %add3A_111 = arith.constant 1584 : i32
    %add3A_112 = arith.addi %mul3A_2, %add3A_111 : i32
    %dma_start3A_113 = arith.constant 0 : i32
    %dma_start3A_114 = tpu.memref_slice %arg6[%add3A_112, %dma_start3A_113] : memref<51200x1024xf32, #tpu.memory_space<hbm>> -> memref<16x1024xf32, #tpu.memory_space<hbm>>
    %dma_start3A_115 = arith.constant 0 : i32
    %dma_start3A_116 = tpu.memref_slice %arg6[%add3A_112, %dma_start3A_115] : memref<51200x1024xf32, #tpu.memory_space<hbm>> -> memref<16x1024xf32, #tpu.memory_space<hbm>>
    tpu.enqueue_dma source(%arg13 : memref<16x1024xf32, #tpu.memory_space<vmem>>) target(%dma_start3A_116 : memref<16x1024xf32, #tpu.memory_space<hbm>>) target_semaphore(%arg23 : memref<!tpu.dma_semaphore, #tpu.memory_space<semaphore_mem>>)
    %dma_wait3A_117 = arith.constant 0 : i32
    %dma_wait3A_118 = tpu.memref_slice %arg6[%mul3A_2, %dma_wait3A_117] : memref<51200x1024xf32, #tpu.memory_space<hbm>> -> memref<16x1024xf32, #tpu.memory_space<hbm>>
    %dma_wait3A_119 = arith.constant 0 : i32
    %dma_wait3A_120 = tpu.memref_slice %arg6[%mul3A_2, %dma_wait3A_119] : memref<51200x1024xf32, #tpu.memory_space<hbm>> -> memref<16x1024xf32, #tpu.memory_space<hbm>>
    tpu.wait_dma2 semaphore(%arg20 : memref<!tpu.dma_semaphore, #tpu.memory_space<semaphore_mem>>) src(%arg10 : memref<16x1024xf32, #tpu.memory_space<vmem>>) dst(%dma_wait3A_120 : memref<16x1024xf32, #tpu.memory_space<hbm>>)
    %dma_wait3A_121 = arith.constant 0 : i32
    %dma_wait3A_122 = tpu.memref_slice %arg6[%mul3A_2, %dma_wait3A_121] : memref<51200x1024xf32, #tpu.memory_space<hbm>> -> memref<16x1024xf32, #tpu.memory_space<hbm>>
    %dma_wait3A_123 = arith.constant 0 : i32
    %dma_wait3A_124 = tpu.memref_slice %arg6[%mul3A_2, %dma_wait3A_123] : memref<51200x1024xf32, #tpu.memory_space<hbm>> -> memref<16x1024xf32, #tpu.memory_space<hbm>>
    tpu.wait_dma2 semaphore(%arg21 : memref<!tpu.dma_semaphore, #tpu.memory_space<semaphore_mem>>) src(%arg11 : memref<16x1024xf32, #tpu.memory_space<vmem>>) dst(%dma_wait3A_124 : memref<16x1024xf32, #tpu.memory_space<hbm>>)
    %dma_wait3A_125 = arith.constant 0 : i32
    %dma_wait3A_126 = tpu.memref_slice %arg6[%mul3A_2, %dma_wait3A_125] : memref<51200x1024xf32, #tpu.memory_space<hbm>> -> memref<16x1024xf32, #tpu.memory_space<hbm>>
    %dma_wait3A_127 = arith.constant 0 : i32
    %dma_wait3A_128 = tpu.memref_slice %arg6[%mul3A_2, %dma_wait3A_127] : memref<51200x1024xf32, #tpu.memory_space<hbm>> -> memref<16x1024xf32, #tpu.memory_space<hbm>>
    tpu.wait_dma2 semaphore(%arg22 : memref<!tpu.dma_semaphore, #tpu.memory_space<semaphore_mem>>) src(%arg12 : memref<16x1024xf32, #tpu.memory_space<vmem>>) dst(%dma_wait3A_128 : memref<16x1024xf32, #tpu.memory_space<hbm>>)
    %dma_wait3A_129 = arith.constant 0 : i32
    %dma_wait3A_130 = tpu.memref_slice %arg6[%mul3A_2, %dma_wait3A_129] : memref<51200x1024xf32, #tpu.memory_space<hbm>> -> memref<16x1024xf32, #tpu.memory_space<hbm>>
    %dma_wait3A_131 = arith.constant 0 : i32
    %dma_wait3A_132 = tpu.memref_slice %arg6[%mul3A_2, %dma_wait3A_131] : memref<51200x1024xf32, #tpu.memory_space<hbm>> -> memref<16x1024xf32, #tpu.memory_space<hbm>>
    tpu.wait_dma2 semaphore(%arg23 : memref<!tpu.dma_semaphore, #tpu.memory_space<semaphore_mem>>) src(%arg13 : memref<16x1024xf32, #tpu.memory_space<vmem>>) dst(%dma_wait3A_132 : memref<16x1024xf32, #tpu.memory_space<hbm>>)
    "tpu.region"() ({
      %run_scoped3A = tpu.sem_alloc : memref<!tpu.dma_semaphore, #tpu.memory_space<semaphore_mem>>
      %dma_start3A_133 = arith.constant 0 : i32
      %dma_start3A_134 = tpu.memref_slice %arg7[%add3A, %dma_start3A_133] : memref<32x16xf32, #tpu.memory_space<hbm>> -> memref<1x16xf32, #tpu.memory_space<hbm>>
      %dma_start3A_135 = tpu.memref_squeeze %dma_start3A_134 : memref<1x16xf32, #tpu.memory_space<hbm>> -> memref<16xf32, #tpu.memory_space<hbm>>
      %dma_start3A_136 = arith.constant 0 : i32
      %dma_start3A_137 = tpu.memref_slice %arg7[%add3A, %dma_start3A_136] : memref<32x16xf32, #tpu.memory_space<hbm>> -> memref<1x16xf32, #tpu.memory_space<hbm>>
      %dma_start3A_138 = tpu.memref_squeeze %dma_start3A_137 : memref<1x16xf32, #tpu.memory_space<hbm>> -> memref<16xf32, #tpu.memory_space<hbm>>
      tpu.enqueue_dma source(%arg15 : memref<16xf32, #tpu.memory_space<vmem>>) target(%dma_start3A_138 : memref<16xf32, #tpu.memory_space<hbm>>) target_semaphore(%run_scoped3A : memref<!tpu.dma_semaphore, #tpu.memory_space<semaphore_mem>>)
      %dma_wait3A_139 = arith.constant 0 : i32
      %dma_wait3A_140 = tpu.memref_slice %arg7[%add3A, %dma_wait3A_139] : memref<32x16xf32, #tpu.memory_space<hbm>> -> memref<1x16xf32, #tpu.memory_space<hbm>>
      %dma_wait3A_141 = tpu.memref_squeeze %dma_wait3A_140 : memref<1x16xf32, #tpu.memory_space<hbm>> -> memref<16xf32, #tpu.memory_space<hbm>>
      %dma_wait3A_142 = arith.constant 0 : i32
      %dma_wait3A_143 = tpu.memref_slice %arg7[%add3A, %dma_wait3A_142] : memref<32x16xf32, #tpu.memory_space<hbm>> -> memref<1x16xf32, #tpu.memory_space<hbm>>
      %dma_wait3A_144 = tpu.memref_squeeze %dma_wait3A_143 : memref<1x16xf32, #tpu.memory_space<hbm>> -> memref<16xf32, #tpu.memory_space<hbm>>
      tpu.wait_dma2 semaphore(%run_scoped3A : memref<!tpu.dma_semaphore, #tpu.memory_space<semaphore_mem>>) src(%arg15 : memref<16xf32, #tpu.memory_space<vmem>>) dst(%dma_wait3A_144 : memref<16xf32, #tpu.memory_space<hbm>>)
      tpu.yield
    }) : () -> ()
    return
  }
}

module attributes {stable_mosaic.version = 14 : i64} {
  func.func @_lse_body(%arg0: memref<1000x1000xf32, #tpu.memory_space<vmem>>, %arg1: memref<1000x1xf32, #tpu.memory_space<vmem>>) attributes {dimension_semantics = [], scalar_prefetch = 0 : i64, scratch_operands = 0 : i64, tpu.core_type = #tpu.core_type<tc>} {
    %get3A = arith.constant 0 : index
    %get3A_0 = arith.constant 0 : index
    %get3A_1 = vector.load %arg0[%get3A, %get3A_0] : memref<1000x1000xf32, #tpu.memory_space<vmem>>, vector<1000x1000xf32>
    %reduce_max3A = arith.constant dense<0xFF800000> : vector<1000xf32>
    %reduce_max3A_2 = vector.multi_reduction <maximumf>, %get3A_1, %reduce_max3A [1] : vector<1000x1000xf32> to vector<1000xf32>
    %broadcast_in_dim3A = vector.shape_cast %reduce_max3A_2 : vector<1000xf32> to vector<1000x1xf32>
    %sub3A = vector.broadcast %broadcast_in_dim3A : vector<1000x1xf32> to vector<1000x1000xf32>
    %sub3A_3 = arith.subf %get3A_1, %sub3A : vector<1000x1000xf32>
    %exp3A = math.exp %sub3A_3 : vector<1000x1000xf32>
    %reduce_sum3A = arith.constant dense<0.000000e+00> : vector<1000xf32>
    %reduce_sum3A_4 = vector.multi_reduction <add>, %exp3A, %reduce_sum3A [1] : vector<1000x1000xf32> to vector<1000xf32>
    %broadcast_in_dim3A_5 = vector.shape_cast %reduce_sum3A_4 : vector<1000xf32> to vector<1000x1xf32>
    %log3A = math.log %broadcast_in_dim3A_5 : vector<1000x1xf32>
    %add3A = arith.addf %broadcast_in_dim3A, %log3A : vector<1000x1xf32>
    %swap3A = arith.constant 0 : index
    %swap3A_6 = arith.constant 0 : index
    %swap3A_7 = vector.load %arg1[%swap3A, %swap3A_6] : memref<1000x1xf32, #tpu.memory_space<vmem>>, vector<1000x1xf32>
    tpu.vector_store %arg1[%swap3A, %swap3A_6], %add3A {strides = array<i32>} : memref<1000x1xf32, #tpu.memory_space<vmem>>, vector<1000x1xf32>,
    return
  }
}

module attributes {stable_mosaic.version = 14 : i64} {
  func.func @_loss_body(%arg0: memref<32x16xf32, #tpu.memory_space<vmem>>, %arg1: memref<1x1xf32, #tpu.memory_space<vmem>>) attributes {dimension_semantics = [], scalar_prefetch = 0 : i64, scratch_operands = 0 : i64, tpu.core_type = #tpu.core_type<tc>} {
    %get3A = arith.constant 0 : index
    %get3A_0 = arith.constant 0 : index
    %get3A_1 = vector.load %arg0[%get3A, %get3A_0] : memref<32x16xf32, #tpu.memory_space<vmem>>, vector<32x16xf32>
    %reduce_sum3A = vector.shape_cast %get3A_1 : vector<32x16xf32> to vector<1x32x16xf32>
    %reduce_sum3A_2 = arith.constant dense<0.000000e+00> : vector<1xf32>
    %reduce_sum3A_3 = vector.multi_reduction <add>, %reduce_sum3A, %reduce_sum3A_2 [1, 2] : vector<1x32x16xf32> to vector<1xf32>
    %reduce_sum3A_4 = vector.shape_cast %reduce_sum3A_3 : vector<1xf32> to vector<1x1x1xf32>
    %reduce_sum3A_5 = vector.extract %reduce_sum3A_4[0, 0, 0] : f32 from vector<1x1x1xf32>
    %broadcast_in_dim3A = vector.broadcast %reduce_sum3A_5 : f32 to vector<1x1xf32>
    %mul3A = arith.constant 1.95312496E-5 : f32
    %mul3A_6 = vector.broadcast %mul3A : f32 to vector<1x1xf32>
    %mul3A_7 = arith.mulf %broadcast_in_dim3A, %mul3A_6 : vector<1x1xf32>
    %swap3A = arith.constant 0 : index
    %swap3A_8 = arith.constant 0 : index
    %swap3A_9 = vector.load %arg1[%swap3A, %swap3A_8] : memref<1x1xf32, #tpu.memory_space<vmem>>, vector<1x1xf32>
    tpu.vector_store %arg1[%swap3A, %swap3A_8], %mul3A_7 {strides = array<i32>} : memref<1x1xf32, #tpu.memory_space<vmem>>, vector<1x1xf32>,
    return
  }
}

</mosaic_0001>

<sc_bundles>
// kernel: kernel.5.cloned.1.call-start
scs
__scs_entry_jumppad:
0x0: {  	(pc) =	sbr.rel $0x88, $3  }
0x1: {  	(tag) =	ssettag $0x0;
	lr =	simm.s32 $0x1  }
0x2: {  	[smem:$0x3F9E] =	sst lr;
	_ =	strace $0xD0000000  }
0x3: {  	_ = 	snop  }
0x4: {  	_ = 	snop  }
0x5: {  	_ = 	snop  }
0x6: {  	_ = 	snop  }
0x7: {  	_ = 	snop  }
__scs_overlays_trampoline_lowered:
0x8: {  	[smem:$0x3FAD] =	sst s0  }
0x9: {  	[smem:$0x3FAE] =	sst s1  }
0xa: {  	[smem:$0x3FAF] =	sst s2  }
0xb: {  	[smem:$0x3FB0] =	sst s3  }
0xc: {  	[smem:$0x3FB1] =	sst s4  }
0xd: {  	[smem:$0x3FB2] =	sst s5  }
0xe: {  	[smem:$0x3FB3] =	sst s6  }
0xf: {  	[smem:$0x3FB4] =	sst s7  }
0x10: {  	[smem:$0x3FB5] =	sst s8  }
0x11: {  	[smem:$0x3FB6] =	sst s9;
	s0 =	simm.s32 @!p0 $0x0  }
0x12: {  	s1 =	sld [smem:$0x3F9C];
	s0 =	simm.s32 @p0 $0x1  }
0x13: {  	[smem:$0x3FB7] =	sst s0;
	s0 =	simm.s32 @!p1 $0x0  }
0x14: {  	s2 =	sld [smem:$0x3F9B];
	s0 =	simm.s32 @p1 $0x1  }
0x15: {  	[smem:$0x3FB8] =	sst s0;
	s0 =	simm.s32 @!p2 $0x0  }
0x16: {  	s3 =	sld [smem:$0x3FDB];
	s0 =	simm.s32 @p2 $0x1  }
0x17: {  	s4 =	simm.s32 $0x1BF5;
	[smem:$0x3FBA] =	sst s0  }
0x18: {  	s0 =	sld [smem:$0x3F9D];
	_ =	swait.ge [sflag:s4], $0x0  }
0x19: {  	s7 =	sld [smem:$0x3F9E]  }
0x1a: {  	s8 =	sadd.s32 $0xFFFFE003, lr  }
0x1b: {  	s9 =	sadd.s32 $0xFFFFFEF7, lr;
	s5 =	simm.s32 $0xFFFFFFFF;
	p2 =	slt.u32 s8, $0xFFFFF086  }
0x1c: {  	p1 =	slt.u32 s9, $0xF7A;
	s5 =	simm.s32 @!p2 $0x0  }
0x1d: {  	s5 =	simm.s32 @p1 $0x1;
	p0 =	seq.s32 s7, s2  }
0x1e: {  	s7 =	smul.u32 @!p0 $0xF7A, s2;
	p2 =	seq.s32 @!p0 s5, $0x0  }
0x1f: {  	s9 =	smul.u32 $0xF7A, s1;
	s8 =	simm.s32 @!p0 $0x1BF5;
	p2 =	por !p2, p0  }
0x20: {  	[sflag:s8] =	ssyncset.s32 @!p0 $0xFFFFF086;
	s6 =	sadd.s32 @!p0 s3, s7;
	s7 =	simm.s32 @!p0 $0x108  }
0x21: {  	s3 =	sadd.s32 s3, s9;
	s6 =	sadd.s32 @!p0 $0x88, s6;
	s7 =	simm.s32 @p2 $0x1082  }
0x22: {  	[simem:s7], [sflag:s8] =	dma.local @!p0 [hbm:s6], $0xF7A  }
0x23: {  	s9 =	sor.u32 $0xD0000000, s2;
	s6 =	simm.s32 $0x108;
	_ =	swait.ge @!p0 [sflag:s8], $0x0  }
0x24: {  	s3 =	sadd.s32 $0x88, s3;
	s6 =	simm.s32 @!p1 $0x1082;
	[sflag:s4] =	ssyncset.s32 $0xFFFFF086  }
0x25: {  	[simem:s6], [sflag:s4] =	dma.local [hbm:s3], $0xF7A  }
0x26: {  	[smem:$0x3F9E] =	sst s1;
	(tag) =	ssettag s2;
	_ =	strace s9  }
0x27: {  	s1 =	sld [smem:$0x3FAE]  }
0x28: {  	s2 =	sld [smem:$0x3FAF]  }
0x29: {  	s4 =	sld [smem:$0x3FB1]  }
0x2a: {  	p0 =	seq.s32 s5, $0x0;
	s5 =	sld [smem:$0x3FB2]  }
0x2b: {  	s6 =	sld [smem:$0x3FB3]  }
0x2c: {  	s7 =	sld [smem:$0x3FB4]  }
0x2d: {  	s3 =	simm.s32 $0x108;
	s8 =	sld [smem:$0x3FB5]  }
0x2e: {  	s3 =	simm.s32 @!p0 $0x1082;
	s9 =	sld [smem:$0x3FB6]  }
0x2f: {  	lr =	sadd.s32 s0, s3;
	s0 =	sld [smem:$0x3FAD]  }
0x30: {  	s3 =	sld [smem:$0x3FB0]  }
0x31: {  	[smem:$0x3FB9] =	sst s10  }
0x32: {  	s10 =	sld [smem:$0x3FB7];
	_ =	sdelay $0x3  }
0x33: {  	p0 =	seq.s32 s10, $0x1;
	s10 =	sld [smem:$0x3FB9];
	_ =	sdelay $0x3  }
0x34: {  	[smem:$0x3FB9] =	sst s10  }
0x35: {  	s10 =	sld [smem:$0x3FB8];
	_ =	sdelay $0x3  }
0x36: {  	p1 =	seq.s32 s10, $0x1;
	s10 =	sld [smem:$0x3FB9];
	_ =	sdelay $0x3  }
0x37: {  	[smem:$0x3FB9] =	sst s10  }
0x38: {  	s10 =	sld [smem:$0x3FBA]  }
0x39: {  	_ = 	snop;
	(pc) =	sbr.ind lr, $3  }
0x3a: {  	_ = 	snop  }
0x3b: {  	_ = 	snop  }
0x3c: {  	p2 =	seq.s32 s10, $0x1;
	s10 =	sld [smem:$0x3FB9]  }
0x3d: {  	_ =	shalt  }
0x3e: {  	_ =	shalt  }
0x3f: {  	_ =	shalt  }
0x40: {  	_ =	shalt  }
0x41: {  	_ =	shalt  }
0x42: {  	_ =	shalt  }
0x43: {  	_ =	shalt  }
0x44: {  	_ =	shalt  }
0x45: {  	_ =	shalt  }
0x46: {  	_ =	shalt  }
0x47: {  	_ =	shalt  }
0x48: {  	_ =	shalt  }
0x49: {  	_ =	shalt  }
0x4a: {  	_ =	shalt  }
0x4b: {  	_ =	shalt  }
0x4c: {  	_ =	shalt  }
0x4d: {  	_ =	shalt  }
0x4e: {  	_ =	shalt  }
0x4f: {  	_ =	shalt  }
0x50: {  	_ =	shalt  }
0x51: {  	_ =	shalt  }
0x52: {  	_ =	shalt  }
0x53: {  	_ =	shalt  }
0x54: {  	_ =	shalt  }
0x55: {  	_ =	shalt  }
0x56: {  	_ =	shalt  }
0x57: {  	_ =	shalt  }
0x58: {  	_ =	shalt  }
0x59: {  	_ =	shalt  }
0x5a: {  	_ =	shalt  }
0x5b: {  	_ =	shalt  }
0x5c: {  	_ =	shalt  }
0x5d: {  	_ =	shalt  }
0x5e: {  	_ =	shalt  }
0x5f: {  	_ =	shalt  }
0x60: {  	_ =	shalt  }
0x61: {  	_ =	shalt  }
0x62: {  	_ =	shalt  }
0x63: {  	_ =	shalt  }
0x64: {  	_ =	shalt  }
0x65: {  	_ =	shalt  }
0x66: {  	_ =	shalt  }
0x67: {  	_ =	shalt  }
0x68: {  	_ =	shalt  }
0x69: {  	_ =	shalt  }
0x6a: {  	_ =	shalt  }
0x6b: {  	_ =	shalt  }
0x6c: {  	_ =	shalt  }
0x6d: {  	_ =	shalt  }
0x6e: {  	_ =	shalt  }
0x6f: {  	_ =	shalt  }
0x70: {  	_ =	shalt  }
0x71: {  	_ =	shalt  }
0x72: {  	_ =	shalt  }
0x73: {  	_ =	shalt  }
0x74: {  	_ =	shalt  }
0x75: {  	_ =	shalt  }
0x76: {  	_ =	shalt  }
0x77: {  	_ =	shalt  }
0x78: {  	_ =	shalt  }
0x79: {  	_ =	shalt  }
0x7a: {  	_ =	shalt  }
0x7b: {  	_ =	shalt  }
0x7c: {  	_ =	shalt  }
0x7d: {  	_ =	shalt  }
0x7e: {  	_ =	shalt  }
0x7f: {  	_ =	shalt  }
0x80: {  	_ =	shalt  }
0x81: {  	_ =	shalt  }
0x82: {  	_ =	shalt  }
0x83: {  	_ =	shalt  }
0x84: {  	_ =	shalt  }
0x85: {  	_ =	shalt  }
0x86: {  	_ =	shalt  }
0x87: {  	_ =	shalt  }
.Lfunc_end0:
.L_simem_size_0:
called_computation.1_lowered:
.L_overlay_start_0:
0x88: {  	s2 =	sld [smem:$0x3FD9]  }
0x89: {  	s3 =	sld [smem:$0x3FFE];
	_ =	sdelay $0x1  }
0x8a: {  	s1 =	srdreg.scid  }
0x8b: {  	s0 =	sand.u32 $0x1, s1  }
0x8c: {  	s14 =	sshll.u32 s0, $0xA;
	s2 =	sadd.s32 s3, s2  }
0x8d: {  	s2 =	sadd.s32 s2, s14  }
0x8e: {  	[smem:$0x3FC5] =	sst s2  }
0x8f: {  	_ = 	snop  }
0x90: {  	s2 =	sld [smem:$0x3FD0];
	_ =	sdelay $0x2  }
0x91: {  	s15 =	simm.s32 $0xA;
	s4 =	simm.s32 $0x10  }
0x92: {  	[smem:s4], [sflag:s15] =	dma.local [hbm:s2], $0x1  }
0x93: {  	_ =	swait.eq [sflag:s15], $0x1  }
0x94: {  	[sflag:s15] =	ssyncset.done $0x0  }
0x95: {  	[sflag:s15] =	ssyncadd.s32 $0xFFFFFFFF  }
0x96: {  	s16 =	sld [smem:$0x10];
	(tm) =	ssettm $0x1  }
0x97: {  	s17 =	sld [smem:$0x3FFB];
	_ =	sdelay $0x3  }
0x98: {  	_ =	strace s17  }
0x99: {  	s3 =	sld [smem:$0x3FFC];
	_ =	sdelay $0x3  }
0x9a: {  	_ =	strace s3  }
0x9b: {  	s3 =	sld [smem:$0x3FFD];
	_ =	sdelay $0x3  }
0x9c: {  	_ =	strace s3  }
0x9d: {  	_ =	strace $0x8FFFFFFF  }
0x9e: {  	s18 =	sld [smem:$0x3FDB];
	_ =	sdelay $0x1  }
0x9f: {  	s19 =	simm.s32 $_scs_section_size  }
0xa0: {  	s5 =	simm.s32 $_size__tile_overlayer_lowered;
	s6 =	simm.s32 $_tile_overlayer_lowered  }
0xa1: {  	s22 =	simm.s32 $0x1BFF;
	s21 =	sshll.u32 s6, $0x1;
	s3 =	sadd.s32 s19, s18  }
0xa2: {  	s7 =	simm.s32 $0x0;
	s20 =	sshll.u32 s5, $0x1;
	s5 =	sadd.s32 s21, s3  }
0xa3: {  	[timem:s7], [sflag:s22] =	dma.local [hbm:s5], s20  }
0xa4: {  	_ =	swait.ge [sflag:s22], s20  }
0xa5: {  	s4 =	ssub.s32 $0x0, s20;
	[sflag:s22] =	ssyncset.done $0x0  }
0xa6: {  	[sflag:s22] =	ssyncadd.s32 s4;
	_ =	sdelay $0x1  }
0xa7: {  	s23 =	simm.s32 $0x1B8B  }
0xa8: {  	_ =	swait.ge [sflag:s23], $0x1  }
0xa9: {  	[sflag:s23] =	ssyncset.done $0x0  }
0xaa: {  	s25 =	simm.s32 $0x1B8E;
	s24 =	sld [smem:$0x3FFE];
	[sflag:s23] =	ssyncadd.s32 $0xFFFFFFFF  }
0xab: {  	s26 =	simm.s32 $execute0_lowered;
	[smem:$0x3FD2] =	sst s25  }
0xac: {  	s5 =	sshll.u32 s26, $0x1;
	_ =	strace $0x80000046;
	[dreg:$0x1] =	wrdreg $0xFFFFFFFF  }
0xad: {  	s28 =	simm.s32 $_size_execute0_lowered;
	s3 =	sadd.s32 s3, s5;
	[dreg:$0x0] =	wrdreg $0x0  }
0xae: {  	s5 =	sshll.u32 s28, $0x1;
	[dreg:$0x2] =	wrdreg s3  }
0xaf: {  	[dreg:$0x3] =	wrdreg s5  }
0xb0: {  	[dreg:$0x4] =	wrdreg $0xC0  }
0xb1: {  	_ =	task [dreg:s7], $0x5FFFF  }
0xb2: {  	[dreg:$0x1] =	wrdreg $0xFFFFFFFF  }
0xb3: {  	[dreg:$0x0] =	wrdreg $0x60  }
0xb4: {  	[dreg:$0x2] =	wrdreg s24  }
0xb5: {  	[dreg:$0x3] =	wrdreg s16  }
0xb6: {  	[dreg:$0x4] =	wrdreg $0x9  }
0xb7: {  	_ =	task.clear_ibuf [dreg:s7], $0x5FFFF;
	_ =	strace $0x90000046  }
0xb8: {  	s29 =	simm.s32 $0x9;
	_ =	strace $0x80000048  }
0xb9: {  	_ =	swait.ge [sflag:s29], $0x1  }
0xba: {  	[sflag:s29] =	ssyncadd.s32 $0xFFFFFFFF  }
0xbb: {  	_ =	strace $0x90000048  }
0xbc: {  	_ =	sfence  }
0xbd: {  	s30 =	sld [smem:$0x0];
	_ =	sdelay $0x2  }
0xbe: {  	s31 =	sshll.u32 s1, $0xD;
	s1 =	sshrl.u32 s1, $0x2  }
0xbf: {  	s3 =	sand.u32 $0x4000, s31;
	s1 =	sadd.s32 s1, s30  }
0xc0: {  	s0 =	sor.u32 s3, s0;
	s1 =	sshll.u32 s1, $0x11  }
0xc1: {  	s0 =	sor.u32 s1, s0  }
0xc2: {  	s0 =	sadd.s32 $0x8F2B, s0  }
0xc3: {  	[sflag:s0] =	ssyncadd.remote.s32 $0x1  }
0xc4: {  	_ =	sfence.sel $0xFFFF  }
0xc5: {  	[dreg:$0x0] =	wrdreg $0xFFFFFFFF;
	(pc) =	sbr.abs _section_cstart, $3  }
0xc6: {  	[dreg:$0x1] =	wrdreg $0xFFFFFFFF  }
0xc7: {  	_ =	task.clear_ibuf [dreg:s7], $0x2FFFF;
	_ =	strace $0x9FFFFFFF  }
0xc8: {  	(tm) =	ssettm $0x7FFFFFFF  }
0xc9: {  	_ =	shalt  }
tec
execute0_lowered:
.L_overlay_start_1:
0x0: {  	(tag) =	ssettag $0x1  }
0x1: {  	s0 =	srdreg.scid;
	s4 =	rddreg [dreg:$0x0]  }
0x2: {  	s12 =	stileid.u32;
	s2 =	rddreg [dreg:$0x1]  }
0x3: {  	s3 =	simm.s32 $0x0;
	s18 =	simm.s32 $0x10D00;
	s19 =	simm.s32 $0xD00  }
0x4: {  	s14 =	simm.s32 $0x1500;
	s15 =	simm.s32 $0x1D00;
	s28 =	simm.s32 $0x4D00  }
0x5: {  	s16 =	simm.s32 $0x1;
	s30 =	simm.s32 $0x2;
	s31 =	simm.s32 $0x5  }
0x6: {  	s17 =	simm.s32 $0x4;
	s29 =	simm.s32 $0xF500;
	s0 =	sand.u32 $0x1, s0  }
0x7: {  	s1 =	sshll.u32 s12, $0x1;
	[smem:$0x7FF] =	sst s3;
	s6 =	sadd.s32 $0x4000, s4  }
0x8: {  	s10 =	sadd.s32 $0x4400, s4;
	s8 =	sadd.s32 $0x200, s2;
	s23 =	smul.u32 $0x64000, s12  }
0x9: {  	s1 =	sor.u32 s0, s1;
	s7 =	ssub.s32 $0x2, s0;
	s0 =	smul.u32 $0x32000, s0  }
0xa: {  	v0 =	vimm.s32 $0x2380;
	vm0 =	vcmask $0x300;
	s9 =	sadd.s32 $0x300, s2;
	s12 =	simm.s32 $0x9;
	s5 =	smul.u32 $0x640, s1  }
0xb: {  	v0 =	vsel vm0, $0x0, v0;
	vm0 =	vcmask $0x704;
	_ =	strace $0x80000047;
	[dreg:$0x4] =	wrdreg s6;
	s11 =	smul.u32 $0x32000, s1  }
0xc: {  	v0 =	vsel vm0, $0x80, v0;
	vm0 =	vcmask $0xB08;
	s20 =	sshll.u32 s1, $0x4;
	s21 =	sshrl.u32 s7, $0x1;
	s1 =	smul.u32 $0x190000, s1  }
0xd: {  	v0 =	vsel vm0, $0x100, v0;
	vm0 =	vcmask $0xF0C;
	s6 =	ssub.s32 s7, s21;
	s7 =	sadd.s32 $0x100, s2;
	s21 =	simm.s32 $0x10500  }
0xe: {  	v0 =	vsel vm0, $0x180, v0;
	vm0 =	vcmask $0x1310;
	s5 =	sshrl.u32 s5, $0x3;
	s11 =	sadd.s32 s10, s11;
	s1 =	sshrl.u32 s1, $0x3  }
0xf: {  	s26 =	smax.u32 s6, $0x1;
	v0 =	vsel vm0, $0x200, v0;
	vm0 =	vcmask $0x1714;
	s6 =	simm.s32 $0x8;
	[dreg:$0x7] =	wrdreg s11  }
0x10: {  	s5 =	sadd.s32 s5, s4;
	s11 =	sadd.s32 $0x800, s11;
	[dreg:$0xc] =	wrdreg s26;
	v0 =	vsel vm0, $0x280, v0;
	vm0 =	vcmask $0x1B18  }
0x11: {  	s4 =	sadd.s32 s20, s4;
	s22 =	sadd.s32 $0xC00, s5;
	[dreg:$0x8] =	wrdreg s11;
	v0 =	vsel vm0, $0x300, v0;
	vm0 =	vcmask $0x1F1C  }
0x12: {  	s1 =	sadd.s32 s10, s1;
	s5 =	sadd.s32 $0x2600, s5;
	[dreg:$0x5] =	wrdreg s22;
	v0 =	vsel vm0, $0x380, v0;
	vm0 =	vcmask $0x2320  }
0x13: {  	s20 =	simm.s32 $0xCD00;
	s24 =	sadd.s32 $0x31000, s1;
	[dreg:$0x6] =	wrdreg s5;
	v1 =	vsel vm0, $0x2000, v0;
	vm0 =	vcmask $0x2724  }
0x14: {  	v3 =	vlaneseq.u32;
	s26 =	simm.s32 $0xED00;
	s1 =	sadd.s32 $0x31800, s1;
	[dreg:$0x9] =	wrdreg s24;
	v1 =	vsel vm0, $0x2080, v1;
	vm0 =	vcmask $0x2B28  }
0x15: {  	vm1 =	vcmask $0x3B38;
	s25 =	sadd.s32 $0x4200, s4;
	s4 =	simm.s32 $0x7;
	[dreg:$0xa] =	wrdreg s1;
	v2 =	vsel vm0, $0x2100, v1;
	vm0 =	vcmask $0x2F2C  }
0x16: {  	v4 =	vshrl.u32 v3, $0x3;
	s5 =	sadd.s32 s23, s10;
	[dreg:$0xb] =	wrdreg s25;
	s1 =	simm.s32 $0x3;
	v2 =	vsel vm0, $0x2180, v2;
	vm0 =	vcmask $0x3330  }
0x17: {  	s10 =	simm.s32 $0x0;
	s22 =	simm.s32 $0xC500;
	s23 =	simm.s32 $0xD500;
	v0 =	vimm.f32 $0.0e+00;
	v5 =	vsel vm0, $0x2200, v2;
	vm0 =	vcmask $0x3734  }
0x18: {  	s24 =	simm.s32 $0xDD00;
	s25 =	simm.s32 $0xE500;
	s0 =	sadd.s32 s0, s5;
	v1 =	vand.u32 $0x7, v3;
	v2 =	vmul.u32 $0x8, v4;
	v4 =	vsel vm0, $0x2280, v5  }
0x19: {  	s5 =	simm.s32 $0x8D00;
	[dreg:$0x3] =	wrdreg s0;
	s0 =	simm.s32 $0x6;
	v3 =	vor.u32 $0x8, v3;
	vm0 =	vmmov $0xffff;
	v4 =	vsel vm1, $0x2300, v4  }
.LBB2_1:
0x1a: {  	[dreg:$0xd] =	wrdreg s10  }
0x1b: {  	s11 =	rddreg [dreg:$0x5]  }
0x1c: {  	[tilespmem:s3], [sflag:$0x9] =	stream.linear.gather [hbm4b:s11+s3], $0x640, $0x38;
	[tilespmem:$0x11180] =	vst v63  }
0x1d: {  	_ =	swait.ge [sflag:s12], $0x640  }
0x1e: {  	[sflag:s12] =	ssyncset.done $0x0  }
0x1f: {  	s13 =	simm.s32 $0x680;
	s10 =	rddreg [dreg:$0x6];
	[sflag:s12] =	ssyncadd.s32 $0xFFFFF9C0  }
0x20: {  	[tilespmem:s13], [sflag:$0x9] =	stream.linear.gather [hbm4b:s10+s3], $0x640, $0x38;
	[tilespmem:$0x11180] =	vst v63  }
0x21: {  	_ =	swait.ge [sflag:s12], $0x640  }
0x22: {  	[sflag:s12] =	ssyncset.done $0x0  }
0x23: {  	s10 =	rddreg [dreg:$0x4];
	[sflag:s12] =	ssyncadd.s32 $0xFFFFF9C0  }
0x24: {  	[tilespmem:s18], [sflag:$0x9] =	stream.linear.gather [hbm4b:s10+s3], $0x400, $0x38;
	[tilespmem:$0x11180] =	vst v63  }
0x25: {  	_ =	swait.ge [sflag:s12], $0x400  }
0x26: {  	[sflag:s12] =	ssyncset.done $0x0  }
0x27: {  	[sflag:s12] =	ssyncadd.s32 $0xFFFFFC00  }
0x28: {  	v5 =	vld [tilespmem:$0x0];
	_ =	sdelay $0x4  }
0x29: {  	v6 =	vshll.u32 v5, $0x3  }
0x2a: {  	v5 =	vand.u32 $0x7, v5;
	v6 =	vand.u32 $0xFFFFFFC0, v6  }
0x2b: {  	v5 =	vor.u32 v5, v6  }
0x2c: {  	v6 =	vperm.xlane v5, v1;
	_ =	sdelay $0x1  }
0x2d: {  	v6 =	vadd.s32 v2, v6;
	_ =	sdelay $0x3  }
0x2e: {  	[tilespmem:$0x11100] =	vst v0  }
0x2f: {  	[tilespmem:s19], [sflag:$0x1] =	stream.indirect_vreg.gather [hbm4b:s2+s3], $0x80, v6, vm0, $0xb8;
	[tilespmem:$0x11180] =	vst v63  }
0x30: {  	v5 =	vperm.xlane v5, v3  }
0x31: {  	[tilespmem:s14], [sflag:$0x1] =	stream.indirect_vreg.gather [hbm4b:s7+s3], $0x80, v6, vm0, $0xb8;
	[tilespmem:$0x11180] =	vst v63  }
0x32: {  	v5 =	vadd.s32 v2, v5  }
0x33: {  	[tilespmem:s15], [sflag:$0x1] =	stream.indirect_vreg.gather [hbm4b:s8+s3], $0x80, v6, vm0, $0xb8;
	[tilespmem:$0x11180] =	vst v63  }
0x34: {  	s12 =	simm.s32 $0x2500  }
0x35: {  	[tilespmem:s12], [sflag:$0x1] =	stream.indirect_vreg.gather [hbm4b:s9+s3], $0x80, v6, vm0, $0xb8;
	[tilespmem:$0x11180] =	vst v63  }
0x36: {  	s13 =	simm.s32 $0x2D00  }
0x37: {  	[tilespmem:s13], [sflag:$0x1] =	stream.indirect_vreg.gather [hbm4b:s2+s3], $0x80, v5, vm0, $0xb8;
	[tilespmem:$0x11180] =	vst v63  }
0x38: {  	s11 =	simm.s32 $0x3500  }
0x39: {  	[tilespmem:s11], [sflag:$0x1] =	stream.indirect_vreg.gather [hbm4b:s7+s3], $0x80, v5, vm0, $0xb8;
	[tilespmem:$0x11180] =	vst v63  }
0x3a: {  	s12 =	simm.s32 $0x3D00  }
0x3b: {  	[tilespmem:s12], [sflag:$0x1] =	stream.indirect_vreg.gather [hbm4b:s8+s3], $0x80, v5, vm0, $0xb8;
	[tilespmem:$0x11180] =	vst v63  }
0x3c: {  	s13 =	simm.s32 $0x4500  }
0x3d: {  	[tilespmem:s13], [sflag:$0x1] =	stream.indirect_vreg.gather [hbm4b:s9+s3], $0x80, v5, vm0, $0xb8;
	[tilespmem:$0x11180] =	vst v63  }
0x3e: {  	v5 =	vld [tilespmem:$0x10];
	_ =	sdelay $0x4  }
0x3f: {  	v6 =	vshll.u32 v5, $0x3  }
0x40: {  	v5 =	vand.u32 $0x7, v5;
	v6 =	vand.u32 $0xFFFFFFC0, v6  }
0x41: {  	v5 =	vor.u32 v5, v6  }
0x42: {  	v6 =	vperm.xlane v5, v1;
	_ =	sdelay $0x1  }
0x43: {  	v6 =	vadd.s32 v2, v6;
	_ =	sdelay $0x4  }
0x44: {  	[tilespmem:s28], [sflag:$0x2] =	stream.indirect_vreg.gather [hbm4b:s2+s3], $0x80, v6, vm0, $0xb8;
	[tilespmem:$0x11180] =	vst v63  }
0x45: {  	s11 =	simm.s32 $0x5500;
	v5 =	vperm.xlane v5, v3  }
0x46: {  	[tilespmem:s11], [sflag:$0x2] =	stream.indirect_vreg.gather [hbm4b:s7+s3], $0x80, v6, vm0, $0xb8;
	[tilespmem:$0x11180] =	vst v63  }
0x47: {  	s12 =	simm.s32 $0x5D00;
	v5 =	vadd.s32 v2, v5  }
0x48: {  	[tilespmem:s12], [sflag:$0x2] =	stream.indirect_vreg.gather [hbm4b:s8+s3], $0x80, v6, vm0, $0xb8;
	[tilespmem:$0x11180] =	vst v63  }
0x49: {  	s13 =	simm.s32 $0x6500  }
0x4a: {  	[tilespmem:s13], [sflag:$0x2] =	stream.indirect_vreg.gather [hbm4b:s9+s3], $0x80, v6, vm0, $0xb8;
	[tilespmem:$0x11180] =	vst v63  }
0x4b: {  	s11 =	simm.s32 $0x6D00  }
0x4c: {  	[tilespmem:s11], [sflag:$0x2] =	stream.indirect_vreg.gather [hbm4b:s2+s3], $0x80, v5, vm0, $0xb8;
	[tilespmem:$0x11180] =	vst v63  }
0x4d: {  	s12 =	simm.s32 $0x7500  }
0x4e: {  	[tilespmem:s12], [sflag:$0x2] =	stream.indirect_vreg.gather [hbm4b:s7+s3], $0x80, v5, vm0, $0xb8;
	[tilespmem:$0x11180] =	vst v63  }
0x4f: {  	s13 =	simm.s32 $0x7D00  }
0x50: {  	[tilespmem:s13], [sflag:$0x2] =	stream.indirect_vreg.gather [hbm4b:s8+s3], $0x80, v5, vm0, $0xb8;
	[tilespmem:$0x11180] =	vst v63  }
0x51: {  	s11 =	simm.s32 $0x8500  }
0x52: {  	[tilespmem:s11], [sflag:$0x2] =	stream.indirect_vreg.gather [hbm4b:s9+s3], $0x80, v5, vm0, $0xb8;
	[tilespmem:$0x11180] =	vst v63  }
0x53: {  	v5 =	vld [tilespmem:$0x20];
	_ =	sdelay $0x4  }
0x54: {  	v6 =	vshll.u32 v5, $0x3  }
0x55: {  	v5 =	vand.u32 $0x7, v5;
	v6 =	vand.u32 $0xFFFFFFC0, v6  }
0x56: {  	v5 =	vor.u32 v5, v6  }
0x57: {  	v6 =	vperm.xlane v5, v1;
	_ =	sdelay $0x1  }
0x58: {  	v6 =	vadd.s32 v2, v6;
	_ =	sdelay $0x4  }
0x59: {  	[tilespmem:s5], [sflag:$0x3] =	stream.indirect_vreg.gather [hbm4b:s2+s3], $0x80, v6, vm0, $0xb8;
	[tilespmem:$0x11180] =	vst v63  }
0x5a: {  	s12 =	simm.s32 $0x9500;
	v5 =	vperm.xlane v5, v3  }
0x5b: {  	[tilespmem:s12], [sflag:$0x3] =	stream.indirect_vreg.gather [hbm4b:s7+s3], $0x80, v6, vm0, $0xb8;
	[tilespmem:$0x11180] =	vst v63  }
0x5c: {  	s13 =	simm.s32 $0x9D00;
	v5 =	vadd.s32 v2, v5  }
0x5d: {  	[tilespmem:s13], [sflag:$0x3] =	stream.indirect_vreg.gather [hbm4b:s8+s3], $0x80, v6, vm0, $0xb8;
	[tilespmem:$0x11180] =	vst v63  }
0x5e: {  	s11 =	simm.s32 $0xA500  }
0x5f: {  	[tilespmem:s11], [sflag:$0x3] =	stream.indirect_vreg.gather [hbm4b:s9+s3], $0x80, v6, vm0, $0xb8;
	[tilespmem:$0x11180] =	vst v63  }
0x60: {  	s12 =	simm.s32 $0xAD00  }
0x61: {  	[tilespmem:s12], [sflag:$0x3] =	stream.indirect_vreg.gather [hbm4b:s2+s3], $0x80, v5, vm0, $0xb8;
	[tilespmem:$0x11180] =	vst v63  }
0x62: {  	s13 =	simm.s32 $0xB500  }
0x63: {  	[tilespmem:s13], [sflag:$0x3] =	stream.indirect_vreg.gather [hbm4b:s7+s3], $0x80, v5, vm0, $0xb8;
	[tilespmem:$0x11180] =	vst v63  }
0x64: {  	s11 =	simm.s32 $0xBD00  }
0x65: {  	[tilespmem:s11], [sflag:$0x3] =	stream.indirect_vreg.gather [hbm4b:s8+s3], $0x80, v5, vm0, $0xb8;
	[tilespmem:$0x11180] =	vst v63  }
0x66: {  	_ = 	snop  }
0x67: {  	[tilespmem:s22], [sflag:$0x3] =	stream.indirect_vreg.gather [hbm4b:s9+s3], $0x80, v5, vm0, $0xb8;
	[tilespmem:$0x11180] =	vst v63  }
0x68: {  	_ =	swait.ge [sflag:s16], $0x4000  }
0x69: {  	[sflag:s16] =	ssyncset.done $0x0  }
0x6a: {  	[sflag:s16] =	ssyncadd.s32 $0xFFFFC000  }
0x6b: {  	v5 =	vld [tilespmem:$0x680];
	_ =	sdelay $0x3  }
0x6c: {  	v7 =	vld [tilespmem:$0x0]  }
0x6d: {  	v6 =	vshll.u32 v5, $0x3  }
0x6e: {  	v5 =	vand.u32 $0x7F, v5;
	v6 =	vand.u32 $0xFFFFFC00, v6  }
0x6f: {  	v5 =	vor.u32 v5, v6  }
0x70: {  	v5 =	vadd.s32 v4, v5;
	_ =	sdelay $0x3  }
0x71: {  	v6 =	vld.idx.msk [tilespmem:v7+s18+$0x0], $0xffff  }
0x72: {  	v5 =	vld.idx.msk [tilespmem:v5+s19+$0x0], $0xffff;
	_ =	sdelay $0x1  }
0x73: {  	v7 =	vld [tilespmem:$0x11100];
	_ =	sdelay $0x2  }
0x74: {  	v5 =	vsub.f32 v6, v5;
	_ =	sdelay $0x1  }
0x75: {  	v5 =	vadd.f32 v5, v7;
	_ =	sdelay $0x1  }
0x76: {  	s12 =	rddreg [dreg:$0x7];
	[tilespmem:$0x11100] =	vst v5  }
0x77: {  	[hbm4b:s12+s3] =	stream.linear.scatter [tilespmem:s19], [sflag:$0x5], $0x4000, $0x38;
	[tilespmem:$0x11180] =	vst v63  }
0x78: {  	v5 =	vld [tilespmem:$0x30];
	_ =	sdelay $0x4  }
0x79: {  	v6 =	vshll.u32 v5, $0x3  }
0x7a: {  	v5 =	vand.u32 $0x7, v5;
	v6 =	vand.u32 $0xFFFFFFC0, v6  }
0x7b: {  	v5 =	vor.u32 v5, v6  }
0x7c: {  	v6 =	vperm.xlane v5, v1;
	_ =	sdelay $0x1  }
0x7d: {  	v6 =	vadd.s32 v2, v6;
	_ =	sdelay $0x4  }
0x7e: {  	[tilespmem:s20], [sflag:$0x4] =	stream.indirect_vreg.gather [hbm4b:s2+s3], $0x80, v6, vm0, $0xb8;
	[tilespmem:$0x11180] =	vst v63  }
0x7f: {  	v5 =	vperm.xlane v5, v3  }
0x80: {  	[tilespmem:s23], [sflag:$0x4] =	stream.indirect_vreg.gather [hbm4b:s7+s3], $0x80, v6, vm0, $0xb8;
	[tilespmem:$0x11180] =	vst v63  }
0x81: {  	v5 =	vadd.s32 v2, v5  }
0x82: {  	[tilespmem:s24], [sflag:$0x4] =	stream.indirect_vreg.gather [hbm4b:s8+s3], $0x80, v6, vm0, $0xb8;
	[tilespmem:$0x11180] =	vst v63  }
0x83: {  	_ = 	snop  }
0x84: {  	[tilespmem:s25], [sflag:$0x4] =	stream.indirect_vreg.gather [hbm4b:s9+s3], $0x80, v6, vm0, $0xb8;
	[tilespmem:$0x11180] =	vst v63  }
0x85: {  	_ = 	snop  }
0x86: {  	[tilespmem:s26], [sflag:$0x4] =	stream.indirect_vreg.gather [hbm4b:s2+s3], $0x80, v5, vm0, $0xb8;
	[tilespmem:$0x11180] =	vst v63  }
0x87: {  	_ = 	snop  }
0x88: {  	[tilespmem:s29], [sflag:$0x4] =	stream.indirect_vreg.gather [hbm4b:s7+s3], $0x80, v5, vm0, $0xb8;
	[tilespmem:$0x11180] =	vst v63  }
0x89: {  	s10 =	simm.s32 $0xFD00  }
0x8a: {  	[tilespmem:s10], [sflag:$0x4] =	stream.indirect_vreg.gather [hbm4b:s8+s3], $0x80, v5, vm0, $0xb8;
	[tilespmem:$0x11180] =	vst v63  }
0x8b: {  	_ = 	snop  }
0x8c: {  	[tilespmem:s21], [sflag:$0x4] =	stream.indirect_vreg.gather [hbm4b:s9+s3], $0x80, v5, vm0, $0xb8;
	[tilespmem:$0x11180] =	vst v63  }
0x8d: {  	_ =	swait.ge [sflag:s30], $0x4000  }
0x8e: {  	[sflag:s30] =	ssyncset.done $0x0  }
0x8f: {  	[sflag:s30] =	ssyncadd.s32 $0xFFFFC000  }
0x90: {  	v5 =	vld [tilespmem:$0x690];
	_ =	sdelay $0x3  }
0x91: {  	v7 =	vld [tilespmem:$0x10]  }
0x92: {  	v6 =	vshll.u32 v5, $0x3  }
0x93: {  	v5 =	vand.u32 $0x7F, v5;
	v6 =	vand.u32 $0xFFFFFC00, v6  }
0x94: {  	v5 =	vor.u32 v5, v6  }
0x95: {  	v5 =	vadd.s32 v4, v5;
	_ =	sdelay $0x3  }
0x96: {  	v6 =	vld.idx.msk [tilespmem:v7+s18+$0x0], $0xffff  }
0x97: {  	v5 =	vld.idx.msk [tilespmem:v5+s28+$0x0], $0xffff;
	_ =	sdelay $0x1  }
0x98: {  	v7 =	vld [tilespmem:$0x11100];
	_ =	sdelay $0x2  }
0x99: {  	v5 =	vsub.f32 v6, v5;
	_ =	sdelay $0x1  }
0x9a: {  	v5 =	vadd.f32 v5, v7;
	_ =	sdelay $0x1  }
0x9b: {  	s13 =	rddreg [dreg:$0x8];
	[tilespmem:$0x11100] =	vst v5  }
0x9c: {  	[hbm4b:s13+s3] =	stream.linear.scatter [tilespmem:s28], [sflag:$0x6], $0x4000, $0x38;
	[tilespmem:$0x11180] =	vst v63  }
0x9d: {  	s11 =	simm.s32 $0x40;
	s12 =	simm.s32 $0x6D0;
	s13 =	simm.s32 $0x0  }
.LBB2_2:
0x9e: {  	_ =	swait.ge [sflag:s31], $0x4000  }
0x9f: {  	[sflag:s31] =	ssyncset.done $0x0  }
0xa0: {  	[sflag:s31] =	ssyncadd.s32 $0xFFFFC000  }
0xa1: {  	v5 =	vld [tilespmem:s11+$0x0];
	_ =	sdelay $0x4  }
0xa2: {  	v6 =	vshll.u32 v5, $0x3  }
0xa3: {  	v5 =	vand.u32 $0x7, v5;
	v6 =	vand.u32 $0xFFFFFFC0, v6  }
0xa4: {  	v5 =	vor.u32 v5, v6  }
0xa5: {  	v6 =	vperm.xlane v5, v1;
	_ =	sdelay $0x1  }
0xa6: {  	v6 =	vadd.s32 v2, v6;
	_ =	sdelay $0x4  }
0xa7: {  	[tilespmem:s19], [sflag:$0x1] =	stream.indirect_vreg.gather [hbm4b:s2+s3], $0x80, v6, vm0, $0xb8;
	[tilespmem:$0x11180] =	vst v63  }
0xa8: {  	v5 =	vperm.xlane v5, v3  }
0xa9: {  	[tilespmem:s14], [sflag:$0x1] =	stream.indirect_vreg.gather [hbm4b:s7+s3], $0x80, v6, vm0, $0xb8;
	[tilespmem:$0x11180] =	vst v63  }
0xaa: {  	v5 =	vadd.s32 v2, v5  }
0xab: {  	[tilespmem:s15], [sflag:$0x1] =	stream.indirect_vreg.gather [hbm4b:s8+s3], $0x80, v6, vm0, $0xb8;
	[tilespmem:$0x11180] =	vst v63  }
0xac: {  	s15 =	simm.s32 $0x2500  }
0xad: {  	[tilespmem:s15], [sflag:$0x1] =	stream.indirect_vreg.gather [hbm4b:s9+s3], $0x80, v6, vm0, $0xb8;
	[tilespmem:$0x11180] =	vst v63  }
0xae: {  	s15 =	simm.s32 $0x2D00  }
0xaf: {  	[tilespmem:s15], [sflag:$0x1] =	stream.indirect_vreg.gather [hbm4b:s2+s3], $0x80, v5, vm0, $0xb8;
	[tilespmem:$0x11180] =	vst v63  }
0xb0: {  	s15 =	simm.s32 $0x3500  }
0xb1: {  	[tilespmem:s15], [sflag:$0x1] =	stream.indirect_vreg.gather [hbm4b:s7+s3], $0x80, v5, vm0, $0xb8;
	[tilespmem:$0x11180] =	vst v63  }
0xb2: {  	s15 =	simm.s32 $0x3D00  }
0xb3: {  	[tilespmem:s15], [sflag:$0x1] =	stream.indirect_vreg.gather [hbm4b:s8+s3], $0x80, v5, vm0, $0xb8;
	[tilespmem:$0x11180] =	vst v63  }
0xb4: {  	s15 =	simm.s32 $0x4500  }
0xb5: {  	[tilespmem:s15], [sflag:$0x1] =	stream.indirect_vreg.gather [hbm4b:s9+s3], $0x80, v5, vm0, $0xb8;
	[tilespmem:$0x11180] =	vst v63  }
0xb6: {  	_ =	swait.ge [sflag:s1], $0x4000  }
0xb7: {  	[sflag:s1] =	ssyncset.done $0x0  }
0xb8: {  	[sflag:s1] =	ssyncadd.s32 $0xFFFFC000  }
0xb9: {  	v5 =	vld [tilespmem:s12+$0xFFFFFFD0];
	_ =	sdelay $0x3  }
0xba: {  	v7 =	vld [tilespmem:s11+$0xFFFFFFE0]  }
0xbb: {  	v6 =	vshll.u32 v5, $0x3  }
0xbc: {  	v5 =	vand.u32 $0x7F, v5;
	v6 =	vand.u32 $0xFFFFFC00, v6  }
0xbd: {  	v5 =	vor.u32 v5, v6  }
0xbe: {  	v5 =	vadd.s32 v4, v5;
	_ =	sdelay $0x3  }
0xbf: {  	v6 =	vld.idx.msk [tilespmem:v7+s18+$0x0], $0xffff  }
0xc0: {  	v5 =	vld.idx.msk [tilespmem:v5+s5+$0x0], $0xffff;
	_ =	sdelay $0x1  }
0xc1: {  	v7 =	vld [tilespmem:$0x11100];
	_ =	sdelay $0x2  }
0xc2: {  	v5 =	vsub.f32 v6, v5;
	_ =	sdelay $0x1  }
0xc3: {  	s15 =	rddreg [dreg:$0x3];
	v5 =	vadd.f32 v5, v7  }
0xc4: {  	s14 =	sadd.s32 s13, s15  }
0xc5: {  	s15 =	sadd.s32 $0x1000, s14;
	[tilespmem:$0x11100] =	vst v5  }
0xc6: {  	[hbm4b:s15+s3] =	stream.linear.scatter [tilespmem:s5], [sflag:$0x7], $0x4000, $0x38;
	[tilespmem:$0x11180] =	vst v63  }
0xc7: {  	_ =	swait.ge [sflag:s0], $0x4000  }
0xc8: {  	[sflag:s0] =	ssyncset.done $0x0  }
0xc9: {  	[sflag:s0] =	ssyncadd.s32 $0xFFFFC000  }
0xca: {  	v5 =	vld [tilespmem:s11+$0x10];
	_ =	sdelay $0x4  }
0xcb: {  	v6 =	vshll.u32 v5, $0x3  }
0xcc: {  	v5 =	vand.u32 $0x7, v5;
	v6 =	vand.u32 $0xFFFFFFC0, v6  }
0xcd: {  	v5 =	vor.u32 v5, v6  }
0xce: {  	v6 =	vperm.xlane v5, v1;
	_ =	sdelay $0x1  }
0xcf: {  	v6 =	vadd.s32 v2, v6;
	_ =	sdelay $0x4  }
0xd0: {  	[tilespmem:s28], [sflag:$0x2] =	stream.indirect_vreg.gather [hbm4b:s2+s3], $0x80, v6, vm0, $0xb8;
	[tilespmem:$0x11180] =	vst v63  }
0xd1: {  	s15 =	simm.s32 $0x5500;
	v5 =	vperm.xlane v5, v3  }
0xd2: {  	[tilespmem:s15], [sflag:$0x2] =	stream.indirect_vreg.gather [hbm4b:s7+s3], $0x80, v6, vm0, $0xb8;
	[tilespmem:$0x11180] =	vst v63  }
0xd3: {  	v5 =	vadd.s32 v2, v5;
	s15 =	simm.s32 $0x5D00  }
0xd4: {  	[tilespmem:s15], [sflag:$0x2] =	stream.indirect_vreg.gather [hbm4b:s8+s3], $0x80, v6, vm0, $0xb8;
	[tilespmem:$0x11180] =	vst v63  }
0xd5: {  	s15 =	simm.s32 $0x6500  }
0xd6: {  	[tilespmem:s15], [sflag:$0x2] =	stream.indirect_vreg.gather [hbm4b:s9+s3], $0x80, v6, vm0, $0xb8;
	[tilespmem:$0x11180] =	vst v63  }
0xd7: {  	s15 =	simm.s32 $0x6D00  }
0xd8: {  	[tilespmem:s15], [sflag:$0x2] =	stream.indirect_vreg.gather [hbm4b:s2+s3], $0x80, v5, vm0, $0xb8;
	[tilespmem:$0x11180] =	vst v63  }
0xd9: {  	s15 =	simm.s32 $0x7500  }
0xda: {  	[tilespmem:s15], [sflag:$0x2] =	stream.indirect_vreg.gather [hbm4b:s7+s3], $0x80, v5, vm0, $0xb8;
	[tilespmem:$0x11180] =	vst v63  }
0xdb: {  	s15 =	simm.s32 $0x7D00  }
0xdc: {  	[tilespmem:s15], [sflag:$0x2] =	stream.indirect_vreg.gather [hbm4b:s8+s3], $0x80, v5, vm0, $0xb8;
	[tilespmem:$0x11180] =	vst v63  }
0xdd: {  	s15 =	simm.s32 $0x8500  }
0xde: {  	[tilespmem:s15], [sflag:$0x2] =	stream.indirect_vreg.gather [hbm4b:s9+s3], $0x80, v5, vm0, $0xb8;
	[tilespmem:$0x11180] =	vst v63  }
0xdf: {  	_ =	swait.ge [sflag:s17], $0x4000  }
0xe0: {  	[sflag:s17] =	ssyncset.done $0x0  }
0xe1: {  	[sflag:s17] =	ssyncadd.s32 $0xFFFFC000  }
0xe2: {  	v5 =	vld [tilespmem:s12+$0xFFFFFFE0];
	_ =	sdelay $0x3  }
0xe3: {  	v7 =	vld [tilespmem:s11+$0xFFFFFFF0]  }
0xe4: {  	v6 =	vshll.u32 v5, $0x3  }
0xe5: {  	v5 =	vand.u32 $0x7F, v5;
	v6 =	vand.u32 $0xFFFFFC00, v6  }
0xe6: {  	v5 =	vor.u32 v5, v6  }
0xe7: {  	v5 =	vadd.s32 v4, v5;
	_ =	sdelay $0x3  }
0xe8: {  	v6 =	vld.idx.msk [tilespmem:v7+s18+$0x0], $0xffff  }
0xe9: {  	v5 =	vld.idx.msk [tilespmem:v5+s20+$0x0], $0xffff;
	_ =	sdelay $0x1  }
0xea: {  	v7 =	vld [tilespmem:$0x11100];
	_ =	sdelay $0x2  }
0xeb: {  	v5 =	vsub.f32 v6, v5;
	_ =	sdelay $0x1  }
0xec: {  	v5 =	vadd.f32 v5, v7;
	_ =	sdelay $0x1  }
0xed: {  	s15 =	sadd.s32 $0x1800, s14;
	[tilespmem:$0x11100] =	vst v5  }
0xee: {  	[hbm4b:s15+s3] =	stream.linear.scatter [tilespmem:s20], [sflag:$0x8], $0x4000, $0x38;
	[tilespmem:$0x11180] =	vst v63  }
0xef: {  	_ =	swait.ge [sflag:s4], $0x4000  }
0xf0: {  	[sflag:s4] =	ssyncset.done $0x0  }
0xf1: {  	[sflag:s4] =	ssyncadd.s32 $0xFFFFC000  }
0xf2: {  	v5 =	vld [tilespmem:s11+$0x20];
	_ =	sdelay $0x4  }
0xf3: {  	v6 =	vshll.u32 v5, $0x3  }
0xf4: {  	v5 =	vand.u32 $0x7, v5;
	v6 =	vand.u32 $0xFFFFFFC0, v6  }
0xf5: {  	v5 =	vor.u32 v5, v6  }
0xf6: {  	v6 =	vperm.xlane v5, v1;
	_ =	sdelay $0x1  }
0xf7: {  	v6 =	vadd.s32 v2, v6;
	_ =	sdelay $0x4  }
0xf8: {  	[tilespmem:s5], [sflag:$0x3] =	stream.indirect_vreg.gather [hbm4b:s2+s3], $0x80, v6, vm0, $0xb8;
	[tilespmem:$0x11180] =	vst v63  }
0xf9: {  	s15 =	simm.s32 $0x9500;
	v5 =	vperm.xlane v5, v3  }
0xfa: {  	[tilespmem:s15], [sflag:$0x3] =	stream.indirect_vreg.gather [hbm4b:s7+s3], $0x80, v6, vm0, $0xb8;
	[tilespmem:$0x11180] =	vst v63  }
0xfb: {  	v5 =	vadd.s32 v2, v5;
	s15 =	simm.s32 $0x9D00  }
0xfc: {  	[tilespmem:s15], [sflag:$0x3] =	stream.indirect_vreg.gather [hbm4b:s8+s3], $0x80, v6, vm0, $0xb8;
	[tilespmem:$0x11180] =	vst v63  }
0xfd: {  	s15 =	simm.s32 $0xA500  }
0xfe: {  	[tilespmem:s15], [sflag:$0x3] =	stream.indirect_vreg.gather [hbm4b:s9+s3], $0x80, v6, vm0, $0xb8;
	[tilespmem:$0x11180] =	vst v63  }
0xff: {  	s15 =	simm.s32 $0xAD00  }
0x100: {  	[tilespmem:s15], [sflag:$0x3] =	stream.indirect_vreg.gather [hbm4b:s2+s3], $0x80, v5, vm0, $0xb8;
	[tilespmem:$0x11180] =	vst v63  }
0x101: {  	s15 =	simm.s32 $0xB500  }
0x102: {  	[tilespmem:s15], [sflag:$0x3] =	stream.indirect_vreg.gather [hbm4b:s7+s3], $0x80, v5, vm0, $0xb8;
	[tilespmem:$0x11180] =	vst v63  }
0x103: {  	s15 =	simm.s32 $0xBD00  }
0x104: {  	[tilespmem:s15], [sflag:$0x3] =	stream.indirect_vreg.gather [hbm4b:s8+s3], $0x80, v5, vm0, $0xb8;
	[tilespmem:$0x11180] =	vst v63  }
0x105: {  	_ = 	snop  }
0x106: {  	[tilespmem:s22], [sflag:$0x3] =	stream.indirect_vreg.gather [hbm4b:s9+s3], $0x80, v5, vm0, $0xb8;
	[tilespmem:$0x11180] =	vst v63  }
0x107: {  	_ =	swait.ge [sflag:s16], $0x4000  }
0x108: {  	[sflag:s16] =	ssyncset.done $0x0  }
0x109: {  	[sflag:s16] =	ssyncadd.s32 $0xFFFFC000  }
0x10a: {  	v5 =	vld [tilespmem:s12+$0xFFFFFFF0];
	_ =	sdelay $0x3  }
0x10b: {  	v7 =	vld [tilespmem:s11+$0x0]  }
0x10c: {  	v6 =	vshll.u32 v5, $0x3  }
0x10d: {  	v5 =	vand.u32 $0x7F, v5;
	v6 =	vand.u32 $0xFFFFFC00, v6  }
0x10e: {  	v5 =	vor.u32 v5, v6  }
0x10f: {  	v5 =	vadd.s32 v4, v5;
	_ =	sdelay $0x3  }
0x110: {  	v6 =	vld.idx.msk [tilespmem:v7+s18+$0x0], $0xffff  }
0x111: {  	v5 =	vld.idx.msk [tilespmem:v5+s19+$0x0], $0xffff;
	_ =	sdelay $0x1  }
0x112: {  	v7 =	vld [tilespmem:$0x11100];
	_ =	sdelay $0x2  }
0x113: {  	v5 =	vsub.f32 v6, v5;
	_ =	sdelay $0x1  }
0x114: {  	v5 =	vadd.f32 v5, v7;
	_ =	sdelay $0x1  }
0x115: {  	s15 =	sadd.s32 $0x2000, s14;
	[tilespmem:$0x11100] =	vst v5  }
0x116: {  	[hbm4b:s15+s3] =	stream.linear.scatter [tilespmem:s19], [sflag:$0x5], $0x4000, $0x38;
	[tilespmem:$0x11180] =	vst v63  }
0x117: {  	_ =	swait.ge [sflag:s6], $0x4000  }
0x118: {  	[sflag:s6] =	ssyncset.done $0x0  }
0x119: {  	[sflag:s6] =	ssyncadd.s32 $0xFFFFC000  }
0x11a: {  	v5 =	vld [tilespmem:s11+$0x30];
	_ =	sdelay $0x4  }
0x11b: {  	v6 =	vshll.u32 v5, $0x3  }
0x11c: {  	v5 =	vand.u32 $0x7, v5;
	v6 =	vand.u32 $0xFFFFFFC0, v6  }
0x11d: {  	v5 =	vor.u32 v5, v6  }
0x11e: {  	v6 =	vperm.xlane v5, v1;
	_ =	sdelay $0x1  }
0x11f: {  	v6 =	vadd.s32 v2, v6;
	_ =	sdelay $0x4  }
0x120: {  	[tilespmem:s20], [sflag:$0x4] =	stream.indirect_vreg.gather [hbm4b:s2+s3], $0x80, v6, vm0, $0xb8;
	[tilespmem:$0x11180] =	vst v63  }
0x121: {  	v5 =	vperm.xlane v5, v3  }
0x122: {  	[tilespmem:s23], [sflag:$0x4] =	stream.indirect_vreg.gather [hbm4b:s7+s3], $0x80, v6, vm0, $0xb8;
	[tilespmem:$0x11180] =	vst v63  }
0x123: {  	v5 =	vadd.s32 v2, v5  }
0x124: {  	[tilespmem:s24], [sflag:$0x4] =	stream.indirect_vreg.gather [hbm4b:s8+s3], $0x80, v6, vm0, $0xb8;
	[tilespmem:$0x11180] =	vst v63  }
0x125: {  	_ = 	snop  }
0x126: {  	[tilespmem:s25], [sflag:$0x4] =	stream.indirect_vreg.gather [hbm4b:s9+s3], $0x80, v6, vm0, $0xb8;
	[tilespmem:$0x11180] =	vst v63  }
0x127: {  	_ = 	snop  }
0x128: {  	[tilespmem:s26], [sflag:$0x4] =	stream.indirect_vreg.gather [hbm4b:s2+s3], $0x80, v5, vm0, $0xb8;
	[tilespmem:$0x11180] =	vst v63  }
0x129: {  	_ = 	snop  }
0x12a: {  	[tilespmem:s29], [sflag:$0x4] =	stream.indirect_vreg.gather [hbm4b:s7+s3], $0x80, v5, vm0, $0xb8;
	[tilespmem:$0x11180] =	vst v63  }
0x12b: {  	_ = 	snop  }
0x12c: {  	[tilespmem:s10], [sflag:$0x4] =	stream.indirect_vreg.gather [hbm4b:s8+s3], $0x80, v5, vm0, $0xb8;
	[tilespmem:$0x11180] =	vst v63  }
0x12d: {  	_ = 	snop  }
0x12e: {  	[tilespmem:s21], [sflag:$0x4] =	stream.indirect_vreg.gather [hbm4b:s9+s3], $0x80, v5, vm0, $0xb8;
	[tilespmem:$0x11180] =	vst v63  }
0x12f: {  	_ =	swait.ge [sflag:s30], $0x4000  }
0x130: {  	[sflag:s30] =	ssyncset.done $0x0  }
0x131: {  	[sflag:s30] =	ssyncadd.s32 $0xFFFFC000  }
0x132: {  	v5 =	vld [tilespmem:s12+$0x0];
	_ =	sdelay $0x3  }
0x133: {  	v7 =	vld [tilespmem:s11+$0x10]  }
0x134: {  	v6 =	vshll.u32 v5, $0x3  }
0x135: {  	v5 =	vand.u32 $0x7F, v5;
	v6 =	vand.u32 $0xFFFFFC00, v6  }
0x136: {  	v5 =	vor.u32 v5, v6  }
0x137: {  	v5 =	vadd.s32 v4, v5;
	_ =	sdelay $0x3  }
0x138: {  	v6 =	vld.idx.msk [tilespmem:v7+s18+$0x0], $0xffff  }
0x139: {  	v5 =	vld.idx.msk [tilespmem:v5+s28+$0x0], $0xffff;
	_ =	sdelay $0x1  }
0x13a: {  	v7 =	vld [tilespmem:$0x11100];
	_ =	sdelay $0x2  }
0x13b: {  	v5 =	vsub.f32 v6, v5  }
0x13c: {  	p0 =	sne.s32 s13, $0x2E000  }
.Ltmp0:
0x13d: {  	v5 =	vadd.f32 v5, v7;
	(pc) =	sbr.rel @p0 .LBB2_2-.Ltmp0, $4  }
0x13e: {  	_ = 	snop  }
0x13f: {  	s13 =	sadd.s32 $0x2000, s13;
	s14 =	sadd.s32 $0x2800, s14;
	s15 =	simm.s32 $0x1D00;
	[tilespmem:$0x11100] =	vst v5  }
0x140: {  	[hbm4b:s14+s3] =	stream.linear.scatter [tilespmem:s28], [sflag:$0x6], $0x4000, $0x38;
	[tilespmem:$0x11180] =	vst v63  }
0x141: {  	s11 =	sadd.s32 $0x40, s11;
	s12 =	sadd.s32 $0x40, s12;
	s14 =	simm.s32 $0x1500  }
0x142: {  	_ =	swait.ge [sflag:s1], $0x4000  }
0x143: {  	[sflag:s1] =	ssyncset.done $0x0  }
0x144: {  	[sflag:s1] =	ssyncadd.s32 $0xFFFFC000  }
0x145: {  	v5 =	vld [tilespmem:$0xCA0];
	_ =	sdelay $0x3  }
0x146: {  	v7 =	vld [tilespmem:$0x620]  }
0x147: {  	v6 =	vshll.u32 v5, $0x3  }
0x148: {  	v5 =	vand.u32 $0x7F, v5;
	v6 =	vand.u32 $0xFFFFFC00, v6  }
0x149: {  	v5 =	vor.u32 v5, v6  }
0x14a: {  	v5 =	vadd.s32 v4, v5;
	_ =	sdelay $0x3  }
0x14b: {  	v6 =	vld.idx.msk [tilespmem:v7+s18+$0x0], $0xffff  }
0x14c: {  	v5 =	vld.idx.msk [tilespmem:v5+s5+$0x0], $0xffff;
	_ =	sdelay $0x1  }
0x14d: {  	v7 =	vld [tilespmem:$0x11100];
	_ =	sdelay $0x2  }
0x14e: {  	v5 =	vsub.f32 v6, v5;
	_ =	sdelay $0x1  }
0x14f: {  	v5 =	vadd.f32 v5, v7;
	_ =	sdelay $0x1  }
0x150: {  	s11 =	rddreg [dreg:$0x9];
	[tilespmem:$0x11100] =	vst v5  }
0x151: {  	[hbm4b:s11+s3] =	stream.linear.scatter [tilespmem:s5], [sflag:$0x7], $0x4000, $0x38;
	[tilespmem:$0x11180] =	vst v63  }
0x152: {  	_ =	swait.ge [sflag:s17], $0x4000  }
0x153: {  	[sflag:s17] =	ssyncset.done $0x0  }
0x154: {  	[sflag:s17] =	ssyncadd.s32 $0xFFFFC000  }
0x155: {  	v5 =	vld [tilespmem:$0xCB0];
	_ =	sdelay $0x3  }
0x156: {  	v7 =	vld [tilespmem:$0x630]  }
0x157: {  	v6 =	vshll.u32 v5, $0x3  }
0x158: {  	v5 =	vand.u32 $0x7F, v5;
	v6 =	vand.u32 $0xFFFFFC00, v6  }
0x159: {  	v5 =	vor.u32 v5, v6  }
0x15a: {  	v5 =	vadd.s32 v4, v5;
	_ =	sdelay $0x3  }
0x15b: {  	v6 =	vld.idx.msk [tilespmem:v7+s18+$0x0], $0xffff  }
0x15c: {  	v5 =	vld.idx.msk [tilespmem:v5+s20+$0x0], $0xffff;
	_ =	sdelay $0x1  }
0x15d: {  	v7 =	vld [tilespmem:$0x11100];
	_ =	sdelay $0x2  }
0x15e: {  	v5 =	vsub.f32 v6, v5;
	_ =	sdelay $0x1  }
0x15f: {  	v5 =	vadd.f32 v5, v7;
	_ =	sdelay $0x1  }
0x160: {  	s12 =	rddreg [dreg:$0xa];
	[tilespmem:$0x11100] =	vst v5  }
0x161: {  	[hbm4b:s12+s3] =	stream.linear.scatter [tilespmem:s20], [sflag:$0x8], $0x4000, $0x38;
	[tilespmem:$0x11180] =	vst v63  }
0x162: {  	_ =	swait.ge [sflag:s31], $0x4000  }
0x163: {  	[sflag:s31] =	ssyncset.done $0x0  }
0x164: {  	[sflag:s31] =	ssyncadd.s32 $0xFFFFC000  }
0x165: {  	_ =	swait.ge [sflag:s0], $0x4000  }
0x166: {  	[sflag:s0] =	ssyncset.done $0x0  }
0x167: {  	[sflag:s0] =	ssyncadd.s32 $0xFFFFC000  }
0x168: {  	_ =	swait.ge [sflag:s4], $0x4000  }
0x169: {  	[sflag:s4] =	ssyncset.done $0x0  }
0x16a: {  	[sflag:s4] =	ssyncadd.s32 $0xFFFFC000  }
0x16b: {  	_ =	swait.ge [sflag:s6], $0x4000  }
0x16c: {  	s10 =	simm.s32 $0x11100;
	[sflag:s6] =	ssyncset.done $0x0  }
0x16d: {  	s12 =	simm.s32 $0x9;
	s13 =	rddreg [dreg:$0xb];
	[sflag:s6] =	ssyncadd.s32 $0xFFFFC000  }
0x16e: {  	[hbm4b:s13+s3] =	stream.linear.scatter [tilespmem:s10], [sflag:$0x9], $0x80, $0x38;
	[tilespmem:$0x11180] =	vst v63  }
0x16f: {  	_ =	swait.ge [sflag:s12], $0x80  }
0x170: {  	s11 =	rddreg [dreg:$0xd]  }
0x171: {  	s13 =	rddreg [dreg:$0xc];
	s10 =	sadd.s32 $0x1, s11  }
0x172: {  	p0 =	sne.s32 s10, s13  }
.Ltmp1:
0x173: {  	_ = 	snop;
	(pc) =	sbr.rel @p0 .LBB2_1-.Ltmp1, $3  }
0x174: {  	_ =	sdelay $0x1  }
0x175: {  	[sflag:s12] =	ssyncset.done $0x0  }
0x176: {  	[sflag:s12] =	ssyncadd.s32 $0xFFFFFF80  }
0x177: {  	_ =	sfence.sel $0x180000  }
0x178: {  	[bflag:$0x0] =	sbarrier.arrive $0xFFFF  }
0x179: {  	_ =	strace $0x90000047  }
0x17a: {  	s0 =	stileid.u32;
	[bflag:$0x2] =	sbarrier.arrive $0xFFFF  }
0x17b: {  	p0 =	sne.s32 s0, $0x0;
	s0 =	rddreg [dreg:$0x2]  }
0x17c: {  	s0 =	sadd.s32 @!p0 $0x100000, s0  }
0x17d: {  	[sflag:s0] =	ssyncadd.tile.s32 @!p0 $0x1;
	_ =	shalt  }
.Lfunc_end2:
_tile_overlayer_lowered:
.L_overlay_start_2:
0x17e: {  	(tag) =	ssettag $0x2  }
0x17f: {  	s0 =	rddreg [dreg:$0x0];
	s2 =	stileid.u32  }
0x180: {  	s1 =	rddreg [dreg:$0x1];
	p0 =	sne.s32 s2, $0x0  }
0x181: {  	s3 =	rddreg [dreg:$0x2];
	[bflag:$0x3] =	sbarrier.arrive $0xFFFF;
	s2 =	simm.s32 @!p0 $0x1C09  }
0x182: {  	[timem:s3], [sflag:s2] =	dma.local @!p0 [hbm:s0], s1  }
0x183: {  	s0 =	simm.s32 @!p0 $0x9  }
0x184: {  	_ =	swait.ge @!p0 [sflag:s0], s1  }
0x185: {  	s1 =	ssub.s32 @!p0 $0x0, s1;
	[sflag:s0] =	ssyncset.done @!p0 $0x0  }
0x186: {  	[sflag:s0] =	ssyncadd.s32 @!p0 s1  }
0x187: {  	[bflag:$0x3] =	sbarrier.arrive $0xFFFF  }
0x188: {  	_ =	shalt  }

// kernel: sparse-core-data-format-call.cloned.1.call-start
scs
called_computation_lowered:
.L_overlay_start_0:
0x0: {  	s2 =	sld [smem:$0x3FD9]  }
0x1: {  	s3 =	sld [smem:$0x3FFE];
	_ =	sdelay $0x1  }
0x2: {  	s1 =	srdreg.scid  }
0x3: {  	s0 =	sand.u32 $0x1, s1  }
0x4: {  	s15 =	sshll.u32 s0, $0xA;
	s2 =	sadd.s32 s3, s2  }
0x5: {  	s2 =	sadd.s32 s2, s15  }
0x6: {  	[smem:$0x3FC5] =	sst s2  }
0x7: {  	_ = 	snop  }
0x8: {  	s2 =	sld [smem:$0x3FD0];
	_ =	sdelay $0x2  }
0x9: {  	s16 =	simm.s32 $0xA;
	s4 =	simm.s32 $0x10  }
0xa: {  	[smem:s4], [sflag:s16] =	dma.local [hbm:s2], $0x1  }
0xb: {  	_ =	swait.eq [sflag:s16], $0x1  }
0xc: {  	[sflag:s16] =	ssyncset.done $0x0  }
0xd: {  	[sflag:s16] =	ssyncadd.s32 $0xFFFFFFFF  }
0xe: {  	s17 =	sld [smem:$0x10];
	(tm) =	ssettm $0x1  }
0xf: {  	s18 =	sld [smem:$0x3FFB];
	_ =	sdelay $0x3  }
0x10: {  	_ =	strace s18  }
0x11: {  	s3 =	sld [smem:$0x3FFC];
	_ =	sdelay $0x3  }
0x12: {  	_ =	strace s3  }
0x13: {  	s3 =	sld [smem:$0x3FFD];
	_ =	sdelay $0x3  }
0x14: {  	_ =	strace s3  }
0x15: {  	_ =	strace $0x8FFFFFFF  }
0x16: {  	s19 =	sld [smem:$0x3FDB];
	_ =	sdelay $0x1  }
0x17: {  	s20 =	simm.s32 $_scs_section_size  }
0x18: {  	s5 =	simm.s32 $_size__tile_overlayer_lowered;
	s6 =	simm.s32 $_tile_overlayer_lowered  }
0x19: {  	s23 =	simm.s32 $0x1BFF;
	s22 =	sshll.u32 s6, $0x1;
	s3 =	sadd.s32 s20, s19  }
0x1a: {  	s7 =	simm.s32 $0x0;
	s21 =	sshll.u32 s5, $0x1;
	s5 =	sadd.s32 s22, s3  }
0x1b: {  	[timem:s7], [sflag:s23] =	dma.local [hbm:s5], s21  }
0x1c: {  	_ =	swait.ge [sflag:s23], s21  }
0x1d: {  	s4 =	ssub.s32 $0x0, s21;
	[sflag:s23] =	ssyncset.done $0x0  }
0x1e: {  	[sflag:s23] =	ssyncadd.s32 s4;
	_ =	sdelay $0x1  }
0x1f: {  	s24 =	simm.s32 $0x1B8B  }
0x20: {  	_ =	swait.ge [sflag:s24], $0x1  }
0x21: {  	[sflag:s24] =	ssyncset.done $0x0  }
0x22: {  	s26 =	simm.s32 $0x1B8E;
	s25 =	sld [smem:$0x3FFE];
	[sflag:s24] =	ssyncadd.s32 $0xFFFFFFFF  }
0x23: {  	s27 =	simm.s32 $execute0_lowered;
	[smem:$0x3FD2] =	sst s26  }
0x24: {  	s5 =	sshll.u32 s27, $0x1;
	_ =	strace $0x80000049;
	[dreg:$0x1] =	wrdreg $0xFFFFFFFF  }
0x25: {  	s28 =	simm.s32 $_size_execute0_lowered;
	s3 =	sadd.s32 s3, s5;
	[dreg:$0x0] =	wrdreg $0x0  }
0x26: {  	s5 =	sshll.u32 s28, $0x1;
	[dreg:$0x2] =	wrdreg s3  }
0x27: {  	[dreg:$0x3] =	wrdreg s5  }
0x28: {  	[dreg:$0x4] =	wrdreg $0xC0  }
0x29: {  	_ =	task [dreg:s7], $0x5FFFF  }
0x2a: {  	[dreg:$0x1] =	wrdreg $0xFFFFFFFF  }
0x2b: {  	[dreg:$0x0] =	wrdreg $0x60  }
0x2c: {  	[dreg:$0x2] =	wrdreg s25  }
0x2d: {  	[dreg:$0x3] =	wrdreg s17  }
0x2e: {  	[dreg:$0x4] =	wrdreg $0x9  }
0x2f: {  	_ =	task.clear_ibuf [dreg:s7], $0x5FFFF;
	_ =	strace $0x90000049  }
0x30: {  	s29 =	simm.s32 $0x9;
	_ =	strace $0x8000004B  }
0x31: {  	_ =	swait.ge [sflag:s29], $0x1  }
0x32: {  	[sflag:s29] =	ssyncadd.s32 $0xFFFFFFFF  }
0x33: {  	_ =	strace $0x9000004B  }
0x34: {  	_ =	sfence  }
0x35: {  	s30 =	sld [smem:$0x0];
	_ =	sdelay $0x2  }
0x36: {  	s31 =	sshll.u32 s1, $0xD;
	s1 =	sshrl.u32 s1, $0x2  }
0x37: {  	s3 =	sand.u32 $0x4000, s31;
	s1 =	sadd.s32 s1, s30  }
0x38: {  	s0 =	sor.u32 s3, s0;
	s1 =	sshll.u32 s1, $0x11  }
0x39: {  	s0 =	sor.u32 s1, s0  }
0x3a: {  	s0 =	sadd.s32 $0x8F2B, s0  }
0x3b: {  	[sflag:s0] =	ssyncadd.remote.s32 $0x1  }
0x3c: {  	_ =	sfence.sel $0xFFFF  }
0x3d: {  	[dreg:$0x0] =	wrdreg $0xFFFFFFFF;
	(pc) =	sbr.abs _section_cstart, $3  }
0x3e: {  	[dreg:$0x1] =	wrdreg $0xFFFFFFFF  }
0x3f: {  	_ =	task.clear_ibuf [dreg:s7], $0x2FFFF;
	_ =	strace $0x9FFFFFFF  }
0x40: {  	(tm) =	ssettm $0x7FFFFFFF  }
0x41: {  	_ =	shalt  }
tec
execute0_lowered:
.L_overlay_start_1:
0x0: {  	(tag) =	ssettag $0x1  }
0x1: {  	s4 =	rddreg [dreg:$0x0]  }
0x2: {  	s2 =	rddreg [dreg:$0x1];
	s1 =	stileid.u32  }
0x3: {  	s3 =	srdreg.scid;
	s0 =	rddreg [dreg:$0x2];
	_ =	strace $0x8000004A  }
0x4: {  	s10 =	simm.s32 $0x2;
	s14 =	simm.s32 $0x0;
	s16 =	simm.s32 $0x0  }
0x5: {  	s12 =	simm.s32 $0x0;
	s15 =	simm.s32 $0x0;
	s3 =	sshll.u32 s3, $0x4  }
0x6: {  	s5 =	sshll.u32 s1, $0x7;
	s4 =	sadd.s32 $0x4400, s4;
	s6 =	sand.u32 $0x10, s3  }
0x7: {  	s3 =	sand.u32 $0x180, s5;
	s5 =	simm.s32 $0x1;
	s8 =	sor.u32 s1, s6  }
0x8: {  	s31 =	ssub.s32 $0xC800, s3;
	[sflag:s5] =	ssyncpa.u1 $0x0;
	s13 =	smov.u32 s3  }
.Ltmp0:
0x9: {  	s7 =	sshll.u32 s8, $0x5;
	s9 =	sand.u32 $0x180, s31;
	(pc) =	sbr.rel .LBB1_1-.Ltmp0, $4  }
0xa: {  	s11 =	sshrl.u32 s31, $0x9;
	p0 =	sne.s32 s9, $0x0;
	s9 =	simm.s32 $0x1  }
0xb: {  	[sflag:s10] =	ssyncpa.u1 $0x0;
	s8 =	sshll.u32 s8, $0x8;
	s9 =	simm.s32 @!p0 $0x0  }
0xc: {  	s10 =	simm.s32 $0x64000;
	s6 =	sand.u32 $0x380, s7;
	s7 =	sadd.s32 s9, s11  }
0xd: {  	p0 =	por $0x0, $0x0;
	s11 =	simm.s32 $0x0;
	s9 =	sadd.s32 $0x1, s7  }
.LBB1_4:
0xe: {  	s22 =	sshrl.u32 s11, $0x3  }
0xf: {  	s23 =	sshll.u32 s12, $0x3;
	s24 =	sand.u32 $0x7F, s12;
	s22 =	smul.u32 $0x64000, s22  }
0x10: {  	v5 =	vld [tilespmem:s18+$0xFFFFFFD0];
	s21 =	sshra.s32 s21, $0x2;
	s25 =	sshra.s32 s12, $0x1F;
	s23 =	sand.u32 $0xFFFFFC00, s23  }
0x11: {  	[tilespmem:s20+$0x2040 ss:$0x81] =	vst.msk $0xffff, v4;
	v58 =	vld [tilespmem:s18+$0xFFFFFFE0];
	p1 =	sgt.s32 s12, $0xC780;
	s25 =	sand.u32 s25, s12;
	s22 =	sadd.s32 s23, s22  }
0x12: {  	[tilespmem:s20+$0x2850 ss:$0x81] =	vst.msk $0xffff, v3;
	v59 =	vld [tilespmem:s18+$0xFFFFFFF0];
	s23 =	sor.u32 s24, s22;
	s22 =	smulhi.u32 $0x51EB851F, s22;
	s24 =	smov.u32 s12  }
0x13: {  	[tilespmem:s20+$0x3060 ss:$0x81] =	vst.msk $0xffff, v2;
	v60 =	vld [tilespmem:s18+$0x0];
	s19 =	sadd.s32 s21, s19;
	s26 =	smulhi.u32 $0x51EB851F, s23;
	s24 =	simm.s32 @!p1 $0xC780  }
0x14: {  	[tilespmem:s20+$0x0 ss:$0x81] =	vst.msk $0xffff, v0;
	v61 =	vld [tilespmem:s18+$0x10];
	p1 =	sgt.s32 s11, $0x368;
	s28 =	sshrl.u32 s22, $0xE;
	s29 =	ssub.s32 s24, s25  }
0x15: {  	[tilespmem:s19+$0x3870 ss:$0x81] =	vst.msk $0xffff, v1;
	s30 =	sshrl.u32 s26, $0xE;
	s31 =	smulhi.u32 $0x418938, s28;
	s25 =	sadd.s32 $0xFFFF3880, s29  }
0x16: {  	v62 =	vld [tilespmem:s18+$0x20];
	[tilespmem:s19+$0x810 ss:$0x81] =	vst.msk $0xffff, v5;
	s22 =	smul.u32 $0xC800, s30;
	p2 =	sgt.s32 s25, $0x7F;
	s25 =	smov.u32 s11  }
0x17: {  	v63 =	vld [tilespmem:s18+$0xFFFFFFC0];
	[tilespmem:s19+$0x1020 ss:$0x81] =	vst.msk $0xffff, v58;
	s21 =	ssub.s32 $0xC800, s29;
	s25 =	simm.s32 @!p1 $0x368;
	s26 =	smul.u32 $0x3E8, s31  }
0x18: {  	[tilespmem:s19+$0x1830 ss:$0x81] =	vst.msk $0xffff, v59;
	s21 =	simm.s32 @p2 $0x0;
	s27 =	ssub.s32 $0x3E8, s25  }
0x19: {  	[tilespmem:s19+$0x2040 ss:$0x81] =	vst.msk $0xffff, v60;
	s22 =	ssub.s32 s23, s22;
	s18 =	ssub.s32 s28, s26;
	s28 =	smul.u32 s27, s21  }
0x1a: {  	[tilespmem:s19+$0x2850 ss:$0x81] =	vst.msk $0xffff, v61;
	s29 =	sshrl.u32 s22, $0x3;
	s22 =	sand.u32 $0x7, s22;
	s18 =	smul.u32 $0x1900, s18  }
0x1b: {  	[tilespmem:s19+$0x3060 ss:$0x81] =	vst.msk $0xffff, v62;
	s21 =	sadd.s32 s2, s29;
	s22 =	sshll.u32 s22, $0x12  }
0x1c: {  	[tilespmem:s19+$0x0 ss:$0x81] =	vst.msk $0xffff, v63;
	s30 =	sand.u32 $0x3FFFFFF8, s28;
	s31 =	sor.u32 $0x400, s22;
	s18 =	sadd.s32 s18, s21  }
0x1d: {  	[hbm4b:s18+s31] =	stream.strided.scatter [tilespmem:s17], [sflag:$0x2], s30, s10, s31, $0x20;
	[tilespmem:$0x10100] =	vst v63  }
.LBB1_5:
0x1e: {  	p1 =	slt.u32 s15, $0x2  }
0x1f: {  	p2 =	sgt.s32 @!p1 s16, $0xC780  }
0x20: {  	s17 =	smov.u32 s16;
	s18 =	sshra.s32 @!p1 s16, $0x1F;
	p2 =	por !p2, p1  }
0x21: {  	s16 =	sand.u32 @!p1 s18, s16;
	s17 =	simm.s32 @p2 $0xC780  }
0x22: {  	s16 =	ssub.s32 @!p1 s17, s16  }
0x23: {  	p2 =	sgt.s32 @!p1 s14, $0x368;
	s17 =	sadd.s32 @!p1 $0xFFFF3880, s16  }
0x24: {  	s18 =	sadd.s32 $0x200, s13;
	p2 =	por !p2, p1;
	p3 =	sgt.s32 @!p1 s17, $0x7F  }
0x25: {  	s14 =	simm.s32 @p2 $0x368;
	s16 =	ssub.s32 @!p1 $0xC800, s16;
	p2 =	por !p3, p1  }
0x26: {  	s14 =	ssub.s32 @!p1 $0x3E8, s14;
	s16 =	simm.s32 @!p2 $0x0;
	p2 =	sgt.s32 s18, $0xC7FF  }
0x27: {  	s14 =	smul.u32 @!p1 s14, s16;
	s18 =	smov.u32 @p2 s3;
	p2 =	sne.s32 s15, s9  }
.Ltmp1:
0x28: {  	s20 =	sadd.s32 $0x1, s15;
	p0 =	por !p0, !p0;
	(pc) =	sbr.rel @!p2 .LBB1_6-.Ltmp1, $4  }
0x29: {  	s17 =	simm.s32 @!p1 $0x2;
	s16 =	smov.u32 s12;
	s14 =	sand.u32 @!p1 $0x3FFFFFFF, s14  }
0x2a: {  	s12 =	smov.u32 s13;
	s15 =	smov.u32 s20;
	_ =	swait.ge @!p1 [sflag:s17], s14  }
0x2b: {  	s13 =	smov.u32 s18;
	s19 =	ssub.s32 @!p1 $0x0, s14;
	[sflag:s17] =	ssyncset.done @!p1 $0x0  }
0x2c: {  	s14 =	smov.u32 s11;
	s11 =	smov.u32 s6;
	[sflag:s17] =	ssyncadd.s32 @!p1 s19  }
.LBB1_1:
0x2d: {  	p1 =	sge.u32 s15, s7  }
0x2e: {  	s17 =	sshll.u32 @!p1 s13, $0xA  }
0x2f: {  	s17 =	sand.u32 @!p1 $0xFFFFE000, s17  }
0x30: {  	s17 =	sor.u32 @!p1 s8, s17  }
0x31: {  	s17 =	sshrl.u32 @!p1 s17, $0xA  }
0x32: {  	s18 =	smulhi.u32 @!p1 $0x28F5C3, s17;
	_ =	sdelay $0x1  }
0x33: {  	s18 =	sshrl.u32 @!p1 s18, $0x5  }
0x34: {  	s18 =	smul.u32 @!p1 $0xC800, s18  }
0x35: {  	s31 =	sadd.s32 $0xFFFFFFFF, s15;
	s19 =	sxor.u32 @!p1 $0xFFFFFFFF, s15;
	s20 =	sshll.u32 @!p1 s13, $0x4  }
0x36: {  	s19 =	sshll.u32 @!p1 s19, $0xE;
	s17 =	ssub.s32 @!p1 s17, s18;
	s18 =	sand.u32 @!p1 $0x70, s20  }
0x37: {  	s19 =	sand.u32 @!p1 $0x4000, s19;
	s17 =	sshll.u32 @!p1 s17, $0x7;
	s18 =	sadd.s32 @!p1 s4, s18  }
0x38: {  	s20 =	simm.s32 @!p1 $0x2000;
	s17 =	sadd.s32 @!p1 s17, s18;
	s18 =	simm.s32 @!p1 $0x400  }
0x39: {  	[tilespmem:s19], [sflag:$0x1] =	stream.strided.gather @!p1 [hbm4b:s17+s18], $0x4000, s20, s18, $0x38;
	[tilespmem:$0x10100] =	vst v63  }
0x3a: {  	p1 =	sge.u32 s31, s7  }
.Ltmp2:
0x3b: {  	_ = 	snop;
	(pc) =	sbr.rel @p1 .LBB1_5-.Ltmp2, $1  }
0x3c: {  	_ =	sdelay $0x3  }
0x3d: {  	s17 =	simm.s32 $0x1  }
0x3e: {  	_ =	swait.ge [sflag:s5], $0x4000;
	s17 =	simm.s32 @!p0 $0x0  }
0x3f: {  	[sflag:s5] =	ssyncset.done $0x0;
	s18 =	sshll.u32 s17, $0xE  }
0x40: {  	[sflag:s5] =	ssyncadd.s32 $0xFFFFC000;
	s18 =	sor.u32 $0x40, s18  }
0x41: {  	s17 =	smul.u32 $0x10200, s17;
	v0 =	vld [tilespmem:s18+$0x30]  }
0x42: {  	v1 =	vld [tilespmem:s18+$0xFFFFFFD0]  }
0x43: {  	s17 =	sshrl.u32 s17, $0x2;
	v5 =	vld [tilespmem:s18+$0xFFFFFFE0]  }
0x44: {  	v6 =	vld [tilespmem:s18+$0xFFFFFFF0];
	s19 =	sor.u32 $0x8000, s17  }
0x45: {  	s31 =	sand.u32 $0x1, s15;
	v4 =	vld [tilespmem:s18+$0x0];
	s20 =	sadd.s32 $0x0, s19  }
0x46: {  	v3 =	vld [tilespmem:s18+$0x10];
	s17 =	smul.u32 $0x10200, s31;
	[tilespmem:s20+$0x3870 ss:$0x81] =	vst.msk $0xffff, v0  }
0x47: {  	v2 =	vld [tilespmem:s18+$0x20];
	[tilespmem:s20+$0x810 ss:$0x81] =	vst.msk $0xffff, v1  }
0x48: {  	s17 =	sshrl.u32 s17, $0x2;
	v0 =	vld [tilespmem:s18+$0xFFFFFFC0];
	[tilespmem:s20+$0x1020 ss:$0x81] =	vst.msk $0xffff, v5;
	s18 =	sadd.s32 $0x80, s18  }
0x49: {  	s21 =	simm.s32 $0x4;
	s22 =	simm.s32 $0x8;
	s17 =	sor.u32 $0x8000, s17;
	[tilespmem:s20+$0x1830 ss:$0x81] =	vst.msk $0xffff, v6;
	v1 =	vld [tilespmem:s18+$0x30]  }
.LBB1_3:
0x4a: {  	p1 =	sne.s32 s22, $0x1FC;
	v5 =	vld [tilespmem:s18+$0xFFFFFFD0];
	[tilespmem:s20+$0x2040 ss:$0x81] =	vst.msk $0xffff, v4  }
0x4b: {  	v6 =	vld [tilespmem:s18+$0xFFFFFFE0];
	[tilespmem:s20+$0x2850 ss:$0x81] =	vst.msk $0xffff, v3  }
0x4c: {  	s23 =	sshra.s32 s21, $0x2;
	s21 =	smov.u32 s22;
	v7 =	vld [tilespmem:s18+$0xFFFFFFF0];
	[tilespmem:s20+$0x3060 ss:$0x81] =	vst.msk $0xffff, v2  }
.Ltmp3:
0x4d: {  	v4 =	vld [tilespmem:s18+$0x0];
	[tilespmem:s20+$0x0 ss:$0x81] =	vst.msk $0xffff, v0;
	s20 =	sadd.s32 s23, s19;
	(pc) =	sbr.rel @p1 .LBB1_3-.Ltmp3, $4  }
0x4e: {  	v3 =	vld [tilespmem:s18+$0x10];
	[tilespmem:s20+$0x3870 ss:$0x81] =	vst.msk $0xffff, v1  }
0x4f: {  	[tilespmem:s20+$0x810 ss:$0x81] =	vst.msk $0xffff, v5;
	v2 =	vld [tilespmem:s18+$0x20]  }
0x50: {  	v0 =	vld [tilespmem:s18+$0xFFFFFFC0];
	[tilespmem:s20+$0x1020 ss:$0x81] =	vst.msk $0xffff, v6;
	s18 =	sadd.s32 $0x80, s18  }
0x51: {  	s22 =	sadd.s32 $0x4, s22;
	v1 =	vld [tilespmem:s18+$0x30];
	[tilespmem:s20+$0x1830 ss:$0x81] =	vst.msk $0xffff, v7  }
.Ltmp4:
0x52: {  	_ = 	snop;
	(pc) =	sbr.rel .LBB1_4-.Ltmp4, $1  }
0x53: {  	_ =	sdelay $0x3  }
.LBB1_6:
0x54: {  	_ =	sfence.sel $0x180000  }
0x55: {  	s2 =	simm.s32 $0x1;
	[bflag:$0x0] =	sbarrier.arrive $0xFFFF  }
0x56: {  	s31 =	simm.s32 $0x2;
	[sflag:s2] =	ssyncpa.u1 $0x1  }
0x57: {  	[sflag:s31] =	ssyncpa.u1 $0x1  }
0x58: {  	p0 =	sne.s32 s1, $0x0;
	_ =	strace $0x9000004A  }
0x59: {  	s0 =	sadd.s32 @!p0 $0x100000, s0;
	[bflag:$0x2] =	sbarrier.arrive $0xFFFF  }
0x5a: {  	[sflag:s0] =	ssyncadd.tile.s32 @!p0 $0x1;
	_ =	shalt  }
.Lfunc_end1:
_tile_overlayer_lowered:
.L_overlay_start_2:
0x5b: {  	(tag) =	ssettag $0x2  }
0x5c: {  	s0 =	rddreg [dreg:$0x0];
	s2 =	stileid.u32  }
0x5d: {  	s1 =	rddreg [dreg:$0x1];
	p0 =	sne.s32 s2, $0x0  }
0x5e: {  	s3 =	rddreg [dreg:$0x2];
	[bflag:$0x3] =	sbarrier.arrive $0xFFFF;
	s2 =	simm.s32 @!p0 $0x1C01  }
0x5f: {  	[timem:s3], [sflag:s2] =	dma.local @!p0 [hbm:s0], s1  }
0x60: {  	s0 =	simm.s32 @!p0 $0x1  }
0x61: {  	_ =	swait.ge @!p0 [sflag:s0], s1  }
0x62: {  	s1 =	ssub.s32 @!p0 $0x0, s1;
	[sflag:s0] =	ssyncset.done @!p0 $0x0  }
0x63: {  	[sflag:s0] =	ssyncadd.s32 @!p0 s1  }
0x64: {  	[bflag:$0x3] =	sbarrier.arrive $0xFFFF  }
0x65: {  	_ =	shalt  }

</sc_bundles>
